<compile_context>
chip_gen: v7x
topology: tpu7x:2x2x1
jax: 0.10.2.dev20260603
libtpu: 0.0.44.dev20260713+nightly
codegen_flags: <defaults>
</compile_context>

<pallas_src>
import functools

import jax
import jax.numpy as jnp
from jax import lax
from jax.experimental import pallas as pl
from jax.experimental.pallas import tpu as pltpu
from jax.experimental.pallas import tpu_sc as plsc

_NODE_NF = 1000000
_HIDDEN = 32
_BATCH = 16384
_FIELDS = 26
_TOTAL = _BATCH * _FIELDS

_NC = 2
_NS = 16
_NW = _NC * _NS
_PW = _TOTAL // _NW
_CHUNK = 128
_NCH = _PW // _CHUNK
_GC = 13
_GROW = _GC * _CHUNK
_NG = _NCH // _GC

_mesh = plsc.VectorSubcoreMesh(core_axis_name="c", subcore_axis_name="s")


@functools.partial(
    pl.kernel,
    mesh=_mesh,
    compiler_params=pltpu.CompilerParams(use_tc_tiling_on_sc=False),
    out_type=jax.ShapeDtypeStruct((_TOTAL, _HIDDEN), jnp.float32),
    scratch_types=[
        pltpu.VMEM((_PW,), jnp.int32),
        pltpu.VMEM((_GROW, _HIDDEN), jnp.float32),
        pltpu.VMEM((_GROW, _HIDDEN), jnp.float32),
        pltpu.SemaphoreType.DMA,
        pltpu.SemaphoreType.DMA,
        pltpu.SemaphoreType.DMA,
        pltpu.SemaphoreType.DMA,
    ],
)
def _sc_gather_rows(zf_hbm, table_hbm, out_hbm, idx, bufa, bufb,
                    gsa, gsb, osa, osb):
    wid = lax.axis_index("s") * _NC + lax.axis_index("c")
    base = wid * _PW

    pltpu.sync_copy(zf_hbm.at[pl.ds(base, _PW)], idx)

    def fire_gather(g, buf, sem):
        for k in range(_GC):
            pltpu.async_copy(
                table_hbm.at[idx.at[pl.ds((g * _GC + k) * _CHUNK, _CHUNK)]],
                buf.at[pl.ds(k * _CHUNK, _CHUNK)],
                sem)

    def drain_gather(g, buf, sem):
        for k in range(_GC):
            pltpu.make_async_copy(
                table_hbm.at[idx.at[pl.ds((g * _GC + k) * _CHUNK, _CHUNK)]],
                buf.at[pl.ds(k * _CHUNK, _CHUNK)],
                sem).wait()

    def fire_write(g, buf, sem):
        pltpu.async_copy(
            buf, out_hbm.at[pl.ds(base + g * _GROW, _GROW)], sem)

    def drain_write(g, buf, sem):
        pltpu.make_async_copy(
            buf, out_hbm.at[pl.ds(base + g * _GROW, _GROW)], sem).wait()

    fire_gather(0, bufa, gsa)
    fire_gather(1, bufb, gsb)

    def body(i, carry):
        c = 2 * i
        drain_gather(c, bufa, gsa)
        fire_write(c, bufa, osa)
        drain_gather(c + 1, bufb, gsb)
        fire_write(c + 1, bufb, osb)
        drain_write(c, bufa, osa)
        fire_gather(c + 2, bufa, gsa)
        drain_write(c + 1, bufb, osb)
        fire_gather(c + 3, bufb, gsb)
        return carry

    lax.fori_loop(0, _NG // 2 - 1, body, 0)

    last = _NG - 2
    drain_gather(last, bufa, gsa)
    fire_write(last, bufa, osa)
    drain_gather(last + 1, bufb, gsb)
    fire_write(last + 1, bufb, osb)
    drain_write(last, bufa, osa)
    drain_write(last + 1, bufb, osb)


def kernel(z, table):
    zf = z.reshape(_TOTAL)
    out = _sc_gather_rows(zf, table)
    return (out.reshape(_BATCH, _FIELDS, _HIDDEN), 0)

# --- scband reference (transcript-rebuilt; emitter-appended) ---
"""Pipeline reference for scband-default-16217796509991 (READ-ONLY COPY).

The authoritative reference and input builder live on the scoring server;
editing this copy changes nothing except your own understanding.
"""

import jax, jax.numpy as jnp
import numpy as np

NODE_NF = 1000000
HIDDEN = 32
BATCH = 16384
FIELDS = 26


def setup_inputs(seed: int = 0) -> dict:
    key = jax.random.key(seed)
    k1, k2 = jax.random.split(key)
    z = jax.random.randint(k1, (BATCH, FIELDS), 0, NODE_NF, dtype=jnp.int32)
    # learned parameter: embedding table sized per init_kwargs (node_nf x hidden_channels)
    table = jax.random.normal(k2, (NODE_NF, HIDDEN), dtype=jnp.float32)
    return {"z": z, "table": table}


def reference(z, table):
    # torch.nn.Embedding lookup: network(z) -> table[z]
    emb = jnp.take(table, z, axis=0)
    # original forward returns (embedding, 0)
    return (emb, 0)

if __name__ == "__main__":
    import jax
    _d = setup_inputs()
    print(jax.jit(kernel)(*tuple(_d.values())))

</pallas_src>

<mosaic_0001>
#map = affine_map<(d0, d1) -> (0)>
#map1 = affine_map<(d0, d1) -> (0, 0)>
module attributes {stable_mosaic.version = 14 : i64} {
  func.func @_sc_gather_rows(%arg0: i32, %arg1: i32, %arg2: memref<425984xi32, #tpu.memory_space<hbm>>, %arg3: memref<1000000x32xf32, #tpu.memory_space<hbm>>, %arg4: memref<425984x32xf32, #tpu.memory_space<hbm>>, %arg5: memref<13312xi32, #tpu.memory_space<vmem>>, %arg6: memref<1664x32xf32, #tpu.memory_space<vmem>>, %arg7: memref<1664x32xf32, #tpu.memory_space<vmem>>, %arg8: memref<!tpu.dma_semaphore, #tpu.memory_space<semaphore_mem>>, %arg9: memref<!tpu.dma_semaphore, #tpu.memory_space<semaphore_mem>>, %arg10: memref<!tpu.dma_semaphore, #tpu.memory_space<semaphore_mem>>, %arg11: memref<!tpu.dma_semaphore, #tpu.memory_space<semaphore_mem>>) attributes {dimension_semantics = [#tpu.dimension_semantics<core_parallel>, #tpu.dimension_semantics<subcore_parallel>], iteration_bounds = array<i64: 2, 16>, scalar_prefetch = 0 : i64, scratch_operands = 7 : i64, tpu.core_type = #tpu.core_type<sc_vector_subcore>, window_params = [{transform_indices = #map}, {transform_indices = #map1}, {transform_indices = #map1}]} {
    %mul3A = arith.constant 2 : i32
    %mul3A_0 = arith.muli %arg1, %mul3A : i32
    %add3A = arith.addi %mul3A_0, %arg0 : i32
    %mul3A_1 = arith.constant 13312 : i32
    %mul3A_2 = arith.muli %add3A, %mul3A_1 : i32
    "tpu.region"() ({
      %run_scoped3A = tpu.sem_alloc : memref<!tpu.dma_semaphore, #tpu.memory_space<semaphore_mem>>
      %dma_start3A_446 = tpu.memref_slice %arg2[%mul3A_2] : memref<425984xi32, #tpu.memory_space<hbm>> -> memref<13312xi32, #tpu.memory_space<hbm>>
      %dma_start3A_447 = tpu.memref_slice %arg2[%mul3A_2] : memref<425984xi32, #tpu.memory_space<hbm>> -> memref<13312xi32, #tpu.memory_space<hbm>>
      tpu.enqueue_dma source(%dma_start3A_447 : memref<13312xi32, #tpu.memory_space<hbm>>) target(%arg5 : memref<13312xi32, #tpu.memory_space<vmem>>) target_semaphore(%run_scoped3A : memref<!tpu.dma_semaphore, #tpu.memory_space<semaphore_mem>>)
      %dma_wait3A_448 = tpu.memref_slice %arg2[%mul3A_2] : memref<425984xi32, #tpu.memory_space<hbm>> -> memref<13312xi32, #tpu.memory_space<hbm>>
      %dma_wait3A_449 = tpu.memref_slice %arg2[%mul3A_2] : memref<425984xi32, #tpu.memory_space<hbm>> -> memref<13312xi32, #tpu.memory_space<hbm>>
      tpu.wait_dma2 semaphore(%run_scoped3A : memref<!tpu.dma_semaphore, #tpu.memory_space<semaphore_mem>>) src(%dma_wait3A_449 : memref<13312xi32, #tpu.memory_space<hbm>>) dst(%arg5 : memref<13312xi32, #tpu.memory_space<vmem>>)
      tpu.yield
    }) : () -> ()
    %dma_start3A = arith.constant 0 : i32
    %dma_start3A_3 = arith.constant 0 : i32
    %dma_start3A_4 = tpu.memref_slice %arg6[%dma_start3A, %dma_start3A_3] : memref<1664x32xf32, #tpu.memory_space<vmem>> -> memref<128x32xf32, #tpu.memory_space<vmem>>
    %dma_start3A_5 = arith.constant 0 : i32
    %dma_start3A_6 = tpu.memref_slice %arg5[%dma_start3A_5] : memref<13312xi32, #tpu.memory_space<vmem>> -> memref<128xi32, #tpu.memory_space<vmem>>
    %dma_start3A_7 = arith.constant 0 : i32
    %dma_start3A_8 = arith.constant 0 : i32
    %dma_start3A_9 = tpu.memref_slice %arg3[%dma_start3A_7, %dma_start3A_8] : memref<1000000x32xf32, #tpu.memory_space<hbm>> -> memref<1000000x32xf32, #tpu.memory_space<hbm>>
    tpu.enqueue_indirect_dma source(%dma_start3A_9 : memref<1000000x32xf32, #tpu.memory_space<hbm>>) target(%dma_start3A_4 : memref<128x32xf32, #tpu.memory_space<vmem>>) offsets(%dma_start3A_6 : memref<128xi32, #tpu.memory_space<vmem>>) semaphore(%arg8 : memref<!tpu.dma_semaphore, #tpu.memory_space<semaphore_mem>>)
    %dma_start3A_10 = arith.constant 128 : i32
    %dma_start3A_11 = arith.constant 0 : i32
    %dma_start3A_12 = tpu.memref_slice %arg6[%dma_start3A_10, %dma_start3A_11] : memref<1664x32xf32, #tpu.memory_space<vmem>> -> memref<128x32xf32, #tpu.memory_space<vmem>>
    %dma_start3A_13 = arith.constant 128 : i32
    %dma_start3A_14 = tpu.memref_slice %arg5[%dma_start3A_13] : memref<13312xi32, #tpu.memory_space<vmem>> -> memref<128xi32, #tpu.memory_space<vmem>>
    %dma_start3A_15 = arith.constant 0 : i32
    %dma_start3A_16 = arith.constant 0 : i32
    %dma_start3A_17 = tpu.memref_slice %arg3[%dma_start3A_15, %dma_start3A_16] : memref<1000000x32xf32, #tpu.memory_space<hbm>> -> memref<1000000x32xf32, #tpu.memory_space<hbm>>
    tpu.enqueue_indirect_dma source(%dma_start3A_17 : memref<1000000x32xf32, #tpu.memory_space<hbm>>) target(%dma_start3A_12 : memref<128x32xf32, #tpu.memory_space<vmem>>) offsets(%dma_start3A_14 : memref<128xi32, #tpu.memory_space<vmem>>) semaphore(%arg8 : memref<!tpu.dma_semaphore, #tpu.memory_space<semaphore_mem>>)
    %dma_start3A_18 = arith.constant 256 : i32
    %dma_start3A_19 = arith.constant 0 : i32
    %dma_start3A_20 = tpu.memref_slice %arg6[%dma_start3A_18, %dma_start3A_19] : memref<1664x32xf32, #tpu.memory_space<vmem>> -> memref<128x32xf32, #tpu.memory_space<vmem>>
    %dma_start3A_21 = arith.constant 256 : i32
    %dma_start3A_22 = tpu.memref_slice %arg5[%dma_start3A_21] : memref<13312xi32, #tpu.memory_space<vmem>> -> memref<128xi32, #tpu.memory_space<vmem>>
    %dma_start3A_23 = arith.constant 0 : i32
    %dma_start3A_24 = arith.constant 0 : i32
    %dma_start3A_25 = tpu.memref_slice %arg3[%dma_start3A_23, %dma_start3A_24] : memref<1000000x32xf32, #tpu.memory_space<hbm>> -> memref<1000000x32xf32, #tpu.memory_space<hbm>>
    tpu.enqueue_indirect_dma source(%dma_start3A_25 : memref<1000000x32xf32, #tpu.memory_space<hbm>>) target(%dma_start3A_20 : memref<128x32xf32, #tpu.memory_space<vmem>>) offsets(%dma_start3A_22 : memref<128xi32, #tpu.memory_space<vmem>>) semaphore(%arg8 : memref<!tpu.dma_semaphore, #tpu.memory_space<semaphore_mem>>)
    %dma_start3A_26 = arith.constant 384 : i32
    %dma_start3A_27 = arith.constant 0 : i32
    %dma_start3A_28 = tpu.memref_slice %arg6[%dma_start3A_26, %dma_start3A_27] : memref<1664x32xf32, #tpu.memory_space<vmem>> -> memref<128x32xf32, #tpu.memory_space<vmem>>
    %dma_start3A_29 = arith.constant 384 : i32
    %dma_start3A_30 = tpu.memref_slice %arg5[%dma_start3A_29] : memref<13312xi32, #tpu.memory_space<vmem>> -> memref<128xi32, #tpu.memory_space<vmem>>
    %dma_start3A_31 = arith.constant 0 : i32
    %dma_start3A_32 = arith.constant 0 : i32
    %dma_start3A_33 = tpu.memref_slice %arg3[%dma_start3A_31, %dma_start3A_32] : memref<1000000x32xf32, #tpu.memory_space<hbm>> -> memref<1000000x32xf32, #tpu.memory_space<hbm>>
    tpu.enqueue_indirect_dma source(%dma_start3A_33 : memref<1000000x32xf32, #tpu.memory_space<hbm>>) target(%dma_start3A_28 : memref<128x32xf32, #tpu.memory_space<vmem>>) offsets(%dma_start3A_30 : memref<128xi32, #tpu.memory_space<vmem>>) semaphore(%arg8 : memref<!tpu.dma_semaphore, #tpu.memory_space<semaphore_mem>>)
    %dma_start3A_34 = arith.constant 512 : i32
    %dma_start3A_35 = arith.constant 0 : i32
    %dma_start3A_36 = tpu.memref_slice %arg6[%dma_start3A_34, %dma_start3A_35] : memref<1664x32xf32, #tpu.memory_space<vmem>> -> memref<128x32xf32, #tpu.memory_space<vmem>>
    %dma_start3A_37 = arith.constant 512 : i32
    %dma_start3A_38 = tpu.memref_slice %arg5[%dma_start3A_37] : memref<13312xi32, #tpu.memory_space<vmem>> -> memref<128xi32, #tpu.memory_space<vmem>>
    %dma_start3A_39 = arith.constant 0 : i32
    %dma_start3A_40 = arith.constant 0 : i32
    %dma_start3A_41 = tpu.memref_slice %arg3[%dma_start3A_39, %dma_start3A_40] : memref<1000000x32xf32, #tpu.memory_space<hbm>> -> memref<1000000x32xf32, #tpu.memory_space<hbm>>
    tpu.enqueue_indirect_dma source(%dma_start3A_41 : memref<1000000x32xf32, #tpu.memory_space<hbm>>) target(%dma_start3A_36 : memref<128x32xf32, #tpu.memory_space<vmem>>) offsets(%dma_start3A_38 : memref<128xi32, #tpu.memory_space<vmem>>) semaphore(%arg8 : memref<!tpu.dma_semaphore, #tpu.memory_space<semaphore_mem>>)
    %dma_start3A_42 = arith.constant 640 : i32
    %dma_start3A_43 = arith.constant 0 : i32
    %dma_start3A_44 = tpu.memref_slice %arg6[%dma_start3A_42, %dma_start3A_43] : memref<1664x32xf32, #tpu.memory_space<vmem>> -> memref<128x32xf32, #tpu.memory_space<vmem>>
    %dma_start3A_45 = arith.constant 640 : i32
    %dma_start3A_46 = tpu.memref_slice %arg5[%dma_start3A_45] : memref<13312xi32, #tpu.memory_space<vmem>> -> memref<128xi32, #tpu.memory_space<vmem>>
    %dma_start3A_47 = arith.constant 0 : i32
    %dma_start3A_48 = arith.constant 0 : i32
    %dma_start3A_49 = tpu.memref_slice %arg3[%dma_start3A_47, %dma_start3A_48] : memref<1000000x32xf32, #tpu.memory_space<hbm>> -> memref<1000000x32xf32, #tpu.memory_space<hbm>>
    tpu.enqueue_indirect_dma source(%dma_start3A_49 : memref<1000000x32xf32, #tpu.memory_space<hbm>>) target(%dma_start3A_44 : memref<128x32xf32, #tpu.memory_space<vmem>>) offsets(%dma_start3A_46 : memref<128xi32, #tpu.memory_space<vmem>>) semaphore(%arg8 : memref<!tpu.dma_semaphore, #tpu.memory_space<semaphore_mem>>)
    %dma_start3A_50 = arith.constant 768 : i32
    %dma_start3A_51 = arith.constant 0 : i32
    %dma_start3A_52 = tpu.memref_slice %arg6[%dma_start3A_50, %dma_start3A_51] : memref<1664x32xf32, #tpu.memory_space<vmem>> -> memref<128x32xf32, #tpu.memory_space<vmem>>
    %dma_start3A_53 = arith.constant 768 : i32
    %dma_start3A_54 = tpu.memref_slice %arg5[%dma_start3A_53] : memref<13312xi32, #tpu.memory_space<vmem>> -> memref<128xi32, #tpu.memory_space<vmem>>
    %dma_start3A_55 = arith.constant 0 : i32
    %dma_start3A_56 = arith.constant 0 : i32
    %dma_start3A_57 = tpu.memref_slice %arg3[%dma_start3A_55, %dma_start3A_56] : memref<1000000x32xf32, #tpu.memory_space<hbm>> -> memref<1000000x32xf32, #tpu.memory_space<hbm>>
    tpu.enqueue_indirect_dma source(%dma_start3A_57 : memref<1000000x32xf32, #tpu.memory_space<hbm>>) target(%dma_start3A_52 : memref<128x32xf32, #tpu.memory_space<vmem>>) offsets(%dma_start3A_54 : memref<128xi32, #tpu.memory_space<vmem>>) semaphore(%arg8 : memref<!tpu.dma_semaphore, #tpu.memory_space<semaphore_mem>>)
    %dma_start3A_58 = arith.constant 896 : i32
    %dma_start3A_59 = arith.constant 0 : i32
    %dma_start3A_60 = tpu.memref_slice %arg6[%dma_start3A_58, %dma_start3A_59] : memref<1664x32xf32, #tpu.memory_space<vmem>> -> memref<128x32xf32, #tpu.memory_space<vmem>>
    %dma_start3A_61 = arith.constant 896 : i32
    %dma_start3A_62 = tpu.memref_slice %arg5[%dma_start3A_61] : memref<13312xi32, #tpu.memory_space<vmem>> -> memref<128xi32, #tpu.memory_space<vmem>>
    %dma_start3A_63 = arith.constant 0 : i32
    %dma_start3A_64 = arith.constant 0 : i32
    %dma_start3A_65 = tpu.memref_slice %arg3[%dma_start3A_63, %dma_start3A_64] : memref<1000000x32xf32, #tpu.memory_space<hbm>> -> memref<1000000x32xf32, #tpu.memory_space<hbm>>
    tpu.enqueue_indirect_dma source(%dma_start3A_65 : memref<1000000x32xf32, #tpu.memory_space<hbm>>) target(%dma_start3A_60 : memref<128x32xf32, #tpu.memory_space<vmem>>) offsets(%dma_start3A_62 : memref<128xi32, #tpu.memory_space<vmem>>) semaphore(%arg8 : memref<!tpu.dma_semaphore, #tpu.memory_space<semaphore_mem>>)
    %dma_start3A_66 = arith.constant 1024 : i32
    %dma_start3A_67 = arith.constant 0 : i32
    %dma_start3A_68 = tpu.memref_slice %arg6[%dma_start3A_66, %dma_start3A_67] : memref<1664x32xf32, #tpu.memory_space<vmem>> -> memref<128x32xf32, #tpu.memory_space<vmem>>
    %dma_start3A_69 = arith.constant 1024 : i32
    %dma_start3A_70 = tpu.memref_slice %arg5[%dma_start3A_69] : memref<13312xi32, #tpu.memory_space<vmem>> -> memref<128xi32, #tpu.memory_space<vmem>>
    %dma_start3A_71 = arith.constant 0 : i32
    %dma_start3A_72 = arith.constant 0 : i32
    %dma_start3A_73 = tpu.memref_slice %arg3[%dma_start3A_71, %dma_start3A_72] : memref<1000000x32xf32, #tpu.memory_space<hbm>> -> memref<1000000x32xf32, #tpu.memory_space<hbm>>
    tpu.enqueue_indirect_dma source(%dma_start3A_73 : memref<1000000x32xf32, #tpu.memory_space<hbm>>) target(%dma_start3A_68 : memref<128x32xf32, #tpu.memory_space<vmem>>) offsets(%dma_start3A_70 : memref<128xi32, #tpu.memory_space<vmem>>) semaphore(%arg8 : memref<!tpu.dma_semaphore, #tpu.memory_space<semaphore_mem>>)
    %dma_start3A_74 = arith.constant 1152 : i32
    %dma_start3A_75 = arith.constant 0 : i32
    %dma_start3A_76 = tpu.memref_slice %arg6[%dma_start3A_74, %dma_start3A_75] : memref<1664x32xf32, #tpu.memory_space<vmem>> -> memref<128x32xf32, #tpu.memory_space<vmem>>
    %dma_start3A_77 = arith.constant 1152 : i32
    %dma_start3A_78 = tpu.memref_slice %arg5[%dma_start3A_77] : memref<13312xi32, #tpu.memory_space<vmem>> -> memref<128xi32, #tpu.memory_space<vmem>>
    %dma_start3A_79 = arith.constant 0 : i32
    %dma_start3A_80 = arith.constant 0 : i32
    %dma_start3A_81 = tpu.memref_slice %arg3[%dma_start3A_79, %dma_start3A_80] : memref<1000000x32xf32, #tpu.memory_space<hbm>> -> memref<1000000x32xf32, #tpu.memory_space<hbm>>
    tpu.enqueue_indirect_dma source(%dma_start3A_81 : memref<1000000x32xf32, #tpu.memory_space<hbm>>) target(%dma_start3A_76 : memref<128x32xf32, #tpu.memory_space<vmem>>) offsets(%dma_start3A_78 : memref<128xi32, #tpu.memory_space<vmem>>) semaphore(%arg8 : memref<!tpu.dma_semaphore, #tpu.memory_space<semaphore_mem>>)
    %dma_start3A_82 = arith.constant 1280 : i32
    %dma_start3A_83 = arith.constant 0 : i32
    %dma_start3A_84 = tpu.memref_slice %arg6[%dma_start3A_82, %dma_start3A_83] : memref<1664x32xf32, #tpu.memory_space<vmem>> -> memref<128x32xf32, #tpu.memory_space<vmem>>
    %dma_start3A_85 = arith.constant 1280 : i32
    %dma_start3A_86 = tpu.memref_slice %arg5[%dma_start3A_85] : memref<13312xi32, #tpu.memory_space<vmem>> -> memref<128xi32, #tpu.memory_space<vmem>>
    %dma_start3A_87 = arith.constant 0 : i32
    %dma_start3A_88 = arith.constant 0 : i32
    %dma_start3A_89 = tpu.memref_slice %arg3[%dma_start3A_87, %dma_start3A_88] : memref<1000000x32xf32, #tpu.memory_space<hbm>> -> memref<1000000x32xf32, #tpu.memory_space<hbm>>
    tpu.enqueue_indirect_dma source(%dma_start3A_89 : memref<1000000x32xf32, #tpu.memory_space<hbm>>) target(%dma_start3A_84 : memref<128x32xf32, #tpu.memory_space<vmem>>) offsets(%dma_start3A_86 : memref<128xi32, #tpu.memory_space<vmem>>) semaphore(%arg8 : memref<!tpu.dma_semaphore, #tpu.memory_space<semaphore_mem>>)
    %dma_start3A_90 = arith.constant 1408 : i32
    %dma_start3A_91 = arith.constant 0 : i32
    %dma_start3A_92 = tpu.memref_slice %arg6[%dma_start3A_90, %dma_start3A_91] : memref<1664x32xf32, #tpu.memory_space<vmem>> -> memref<128x32xf32, #tpu.memory_space<vmem>>
    %dma_start3A_93 = arith.constant 1408 : i32
    %dma_start3A_94 = tpu.memref_slice %arg5[%dma_start3A_93] : memref<13312xi32, #tpu.memory_space<vmem>> -> memref<128xi32, #tpu.memory_space<vmem>>
    %dma_start3A_95 = arith.constant 0 : i32
    %dma_start3A_96 = arith.constant 0 : i32
    %dma_start3A_97 = tpu.memref_slice %arg3[%dma_start3A_95, %dma_start3A_96] : memref<1000000x32xf32, #tpu.memory_space<hbm>> -> memref<1000000x32xf32, #tpu.memory_space<hbm>>
    tpu.enqueue_indirect_dma source(%dma_start3A_97 : memref<1000000x32xf32, #tpu.memory_space<hbm>>) target(%dma_start3A_92 : memref<128x32xf32, #tpu.memory_space<vmem>>) offsets(%dma_start3A_94 : memref<128xi32, #tpu.memory_space<vmem>>) semaphore(%arg8 : memref<!tpu.dma_semaphore, #tpu.memory_space<semaphore_mem>>)
    %dma_start3A_98 = arith.constant 1536 : i32
    %dma_start3A_99 = arith.constant 0 : i32
    %dma_start3A_100 = tpu.memref_slice %arg6[%dma_start3A_98, %dma_start3A_99] : memref<1664x32xf32, #tpu.memory_space<vmem>> -> memref<128x32xf32, #tpu.memory_space<vmem>>
    %dma_start3A_101 = arith.constant 1536 : i32
    %dma_start3A_102 = tpu.memref_slice %arg5[%dma_start3A_101] : memref<13312xi32, #tpu.memory_space<vmem>> -> memref<128xi32, #tpu.memory_space<vmem>>
    %dma_start3A_103 = arith.constant 0 : i32
    %dma_start3A_104 = arith.constant 0 : i32
    %dma_start3A_105 = tpu.memref_slice %arg3[%dma_start3A_103, %dma_start3A_104] : memref<1000000x32xf32, #tpu.memory_space<hbm>> -> memref<1000000x32xf32, #tpu.memory_space<hbm>>
    tpu.enqueue_indirect_dma source(%dma_start3A_105 : memref<1000000x32xf32, #tpu.memory_space<hbm>>) target(%dma_start3A_100 : memref<128x32xf32, #tpu.memory_space<vmem>>) offsets(%dma_start3A_102 : memref<128xi32, #tpu.memory_space<vmem>>) semaphore(%arg8 : memref<!tpu.dma_semaphore, #tpu.memory_space<semaphore_mem>>)
    %dma_start3A_106 = arith.constant 0 : i32
    %dma_start3A_107 = arith.constant 0 : i32
    %dma_start3A_108 = tpu.memref_slice %arg7[%dma_start3A_106, %dma_start3A_107] : memref<1664x32xf32, #tpu.memory_space<vmem>> -> memref<128x32xf32, #tpu.memory_space<vmem>>
    %dma_start3A_109 = arith.constant 1664 : i32
    %dma_start3A_110 = tpu.memref_slice %arg5[%dma_start3A_109] : memref<13312xi32, #tpu.memory_space<vmem>> -> memref<128xi32, #tpu.memory_space<vmem>>
    %dma_start3A_111 = arith.constant 0 : i32
    %dma_start3A_112 = arith.constant 0 : i32
    %dma_start3A_113 = tpu.memref_slice %arg3[%dma_start3A_111, %dma_start3A_112] : memref<1000000x32xf32, #tpu.memory_space<hbm>> -> memref<1000000x32xf32, #tpu.memory_space<hbm>>
    tpu.enqueue_indirect_dma source(%dma_start3A_113 : memref<1000000x32xf32, #tpu.memory_space<hbm>>) target(%dma_start3A_108 : memref<128x32xf32, #tpu.memory_space<vmem>>) offsets(%dma_start3A_110 : memref<128xi32, #tpu.memory_space<vmem>>) semaphore(%arg9 : memref<!tpu.dma_semaphore, #tpu.memory_space<semaphore_mem>>)
    %dma_start3A_114 = arith.constant 128 : i32
    %dma_start3A_115 = arith.constant 0 : i32
    %dma_start3A_116 = tpu.memref_slice %arg7[%dma_start3A_114, %dma_start3A_115] : memref<1664x32xf32, #tpu.memory_space<vmem>> -> memref<128x32xf32, #tpu.memory_space<vmem>>
    %dma_start3A_117 = arith.constant 1792 : i32
    %dma_start3A_118 = tpu.memref_slice %arg5[%dma_start3A_117] : memref<13312xi32, #tpu.memory_space<vmem>> -> memref<128xi32, #tpu.memory_space<vmem>>
    %dma_start3A_119 = arith.constant 0 : i32
    %dma_start3A_120 = arith.constant 0 : i32
    %dma_start3A_121 = tpu.memref_slice %arg3[%dma_start3A_119, %dma_start3A_120] : memref<1000000x32xf32, #tpu.memory_space<hbm>> -> memref<1000000x32xf32, #tpu.memory_space<hbm>>
    tpu.enqueue_indirect_dma source(%dma_start3A_121 : memref<1000000x32xf32, #tpu.memory_space<hbm>>) target(%dma_start3A_116 : memref<128x32xf32, #tpu.memory_space<vmem>>) offsets(%dma_start3A_118 : memref<128xi32, #tpu.memory_space<vmem>>) semaphore(%arg9 : memref<!tpu.dma_semaphore, #tpu.memory_space<semaphore_mem>>)
    %dma_start3A_122 = arith.constant 256 : i32
    %dma_start3A_123 = arith.constant 0 : i32
    %dma_start3A_124 = tpu.memref_slice %arg7[%dma_start3A_122, %dma_start3A_123] : memref<1664x32xf32, #tpu.memory_space<vmem>> -> memref<128x32xf32, #tpu.memory_space<vmem>>
    %dma_start3A_125 = arith.constant 1920 : i32
    %dma_start3A_126 = tpu.memref_slice %arg5[%dma_start3A_125] : memref<13312xi32, #tpu.memory_space<vmem>> -> memref<128xi32, #tpu.memory_space<vmem>>
    %dma_start3A_127 = arith.constant 0 : i32
    %dma_start3A_128 = arith.constant 0 : i32
    %dma_start3A_129 = tpu.memref_slice %arg3[%dma_start3A_127, %dma_start3A_128] : memref<1000000x32xf32, #tpu.memory_space<hbm>> -> memref<1000000x32xf32, #tpu.memory_space<hbm>>
    tpu.enqueue_indirect_dma source(%dma_start3A_129 : memref<1000000x32xf32, #tpu.memory_space<hbm>>) target(%dma_start3A_124 : memref<128x32xf32, #tpu.memory_space<vmem>>) offsets(%dma_start3A_126 : memref<128xi32, #tpu.memory_space<vmem>>) semaphore(%arg9 : memref<!tpu.dma_semaphore, #tpu.memory_space<semaphore_mem>>)
    %dma_start3A_130 = arith.constant 384 : i32
    %dma_start3A_131 = arith.constant 0 : i32
    %dma_start3A_132 = tpu.memref_slice %arg7[%dma_start3A_130, %dma_start3A_131] : memref<1664x32xf32, #tpu.memory_space<vmem>> -> memref<128x32xf32, #tpu.memory_space<vmem>>
    %dma_start3A_133 = arith.constant 2048 : i32
    %dma_start3A_134 = tpu.memref_slice %arg5[%dma_start3A_133] : memref<13312xi32, #tpu.memory_space<vmem>> -> memref<128xi32, #tpu.memory_space<vmem>>
    %dma_start3A_135 = arith.constant 0 : i32
    %dma_start3A_136 = arith.constant 0 : i32
    %dma_start3A_137 = tpu.memref_slice %arg3[%dma_start3A_135, %dma_start3A_136] : memref<1000000x32xf32, #tpu.memory_space<hbm>> -> memref<1000000x32xf32, #tpu.memory_space<hbm>>
    tpu.enqueue_indirect_dma source(%dma_start3A_137 : memref<1000000x32xf32, #tpu.memory_space<hbm>>) target(%dma_start3A_132 : memref<128x32xf32, #tpu.memory_space<vmem>>) offsets(%dma_start3A_134 : memref<128xi32, #tpu.memory_space<vmem>>) semaphore(%arg9 : memref<!tpu.dma_semaphore, #tpu.memory_space<semaphore_mem>>)
    %dma_start3A_138 = arith.constant 512 : i32
    %dma_start3A_139 = arith.constant 0 : i32
    %dma_start3A_140 = tpu.memref_slice %arg7[%dma_start3A_138, %dma_start3A_139] : memref<1664x32xf32, #tpu.memory_space<vmem>> -> memref<128x32xf32, #tpu.memory_space<vmem>>
    %dma_start3A_141 = arith.constant 2176 : i32
    %dma_start3A_142 = tpu.memref_slice %arg5[%dma_start3A_141] : memref<13312xi32, #tpu.memory_space<vmem>> -> memref<128xi32, #tpu.memory_space<vmem>>
    %dma_start3A_143 = arith.constant 0 : i32
    %dma_start3A_144 = arith.constant 0 : i32
    %dma_start3A_145 = tpu.memref_slice %arg3[%dma_start3A_143, %dma_start3A_144] : memref<1000000x32xf32, #tpu.memory_space<hbm>> -> memref<1000000x32xf32, #tpu.memory_space<hbm>>
    tpu.enqueue_indirect_dma source(%dma_start3A_145 : memref<1000000x32xf32, #tpu.memory_space<hbm>>) target(%dma_start3A_140 : memref<128x32xf32, #tpu.memory_space<vmem>>) offsets(%dma_start3A_142 : memref<128xi32, #tpu.memory_space<vmem>>) semaphore(%arg9 : memref<!tpu.dma_semaphore, #tpu.memory_space<semaphore_mem>>)
    %dma_start3A_146 = arith.constant 640 : i32
    %dma_start3A_147 = arith.constant 0 : i32
    %dma_start3A_148 = tpu.memref_slice %arg7[%dma_start3A_146, %dma_start3A_147] : memref<1664x32xf32, #tpu.memory_space<vmem>> -> memref<128x32xf32, #tpu.memory_space<vmem>>
    %dma_start3A_149 = arith.constant 2304 : i32
    %dma_start3A_150 = tpu.memref_slice %arg5[%dma_start3A_149] : memref<13312xi32, #tpu.memory_space<vmem>> -> memref<128xi32, #tpu.memory_space<vmem>>
    %dma_start3A_151 = arith.constant 0 : i32
    %dma_start3A_152 = arith.constant 0 : i32
    %dma_start3A_153 = tpu.memref_slice %arg3[%dma_start3A_151, %dma_start3A_152] : memref<1000000x32xf32, #tpu.memory_space<hbm>> -> memref<1000000x32xf32, #tpu.memory_space<hbm>>
    tpu.enqueue_indirect_dma source(%dma_start3A_153 : memref<1000000x32xf32, #tpu.memory_space<hbm>>) target(%dma_start3A_148 : memref<128x32xf32, #tpu.memory_space<vmem>>) offsets(%dma_start3A_150 : memref<128xi32, #tpu.memory_space<vmem>>) semaphore(%arg9 : memref<!tpu.dma_semaphore, #tpu.memory_space<semaphore_mem>>)
    %dma_start3A_154 = arith.constant 768 : i32
    %dma_start3A_155 = arith.constant 0 : i32
    %dma_start3A_156 = tpu.memref_slice %arg7[%dma_start3A_154, %dma_start3A_155] : memref<1664x32xf32, #tpu.memory_space<vmem>> -> memref<128x32xf32, #tpu.memory_space<vmem>>
    %dma_start3A_157 = arith.constant 2432 : i32
    %dma_start3A_158 = tpu.memref_slice %arg5[%dma_start3A_157] : memref<13312xi32, #tpu.memory_space<vmem>> -> memref<128xi32, #tpu.memory_space<vmem>>
    %dma_start3A_159 = arith.constant 0 : i32
    %dma_start3A_160 = arith.constant 0 : i32
    %dma_start3A_161 = tpu.memref_slice %arg3[%dma_start3A_159, %dma_start3A_160] : memref<1000000x32xf32, #tpu.memory_space<hbm>> -> memref<1000000x32xf32, #tpu.memory_space<hbm>>
    tpu.enqueue_indirect_dma source(%dma_start3A_161 : memref<1000000x32xf32, #tpu.memory_space<hbm>>) target(%dma_start3A_156 : memref<128x32xf32, #tpu.memory_space<vmem>>) offsets(%dma_start3A_158 : memref<128xi32, #tpu.memory_space<vmem>>) semaphore(%arg9 : memref<!tpu.dma_semaphore, #tpu.memory_space<semaphore_mem>>)
    %dma_start3A_162 = arith.constant 896 : i32
    %dma_start3A_163 = arith.constant 0 : i32
    %dma_start3A_164 = tpu.memref_slice %arg7[%dma_start3A_162, %dma_start3A_163] : memref<1664x32xf32, #tpu.memory_space<vmem>> -> memref<128x32xf32, #tpu.memory_space<vmem>>
    %dma_start3A_165 = arith.constant 2560 : i32
    %dma_start3A_166 = tpu.memref_slice %arg5[%dma_start3A_165] : memref<13312xi32, #tpu.memory_space<vmem>> -> memref<128xi32, #tpu.memory_space<vmem>>
    %dma_start3A_167 = arith.constant 0 : i32
    %dma_start3A_168 = arith.constant 0 : i32
    %dma_start3A_169 = tpu.memref_slice %arg3[%dma_start3A_167, %dma_start3A_168] : memref<1000000x32xf32, #tpu.memory_space<hbm>> -> memref<1000000x32xf32, #tpu.memory_space<hbm>>
    tpu.enqueue_indirect_dma source(%dma_start3A_169 : memref<1000000x32xf32, #tpu.memory_space<hbm>>) target(%dma_start3A_164 : memref<128x32xf32, #tpu.memory_space<vmem>>) offsets(%dma_start3A_166 : memref<128xi32, #tpu.memory_space<vmem>>) semaphore(%arg9 : memref<!tpu.dma_semaphore, #tpu.memory_space<semaphore_mem>>)
    %dma_start3A_170 = arith.constant 1024 : i32
    %dma_start3A_171 = arith.constant 0 : i32
    %dma_start3A_172 = tpu.memref_slice %arg7[%dma_start3A_170, %dma_start3A_171] : memref<1664x32xf32, #tpu.memory_space<vmem>> -> memref<128x32xf32, #tpu.memory_space<vmem>>
    %dma_start3A_173 = arith.constant 2688 : i32
    %dma_start3A_174 = tpu.memref_slice %arg5[%dma_start3A_173] : memref<13312xi32, #tpu.memory_space<vmem>> -> memref<128xi32, #tpu.memory_space<vmem>>
    %dma_start3A_175 = arith.constant 0 : i32
    %dma_start3A_176 = arith.constant 0 : i32
    %dma_start3A_177 = tpu.memref_slice %arg3[%dma_start3A_175, %dma_start3A_176] : memref<1000000x32xf32, #tpu.memory_space<hbm>> -> memref<1000000x32xf32, #tpu.memory_space<hbm>>
    tpu.enqueue_indirect_dma source(%dma_start3A_177 : memref<1000000x32xf32, #tpu.memory_space<hbm>>) target(%dma_start3A_172 : memref<128x32xf32, #tpu.memory_space<vmem>>) offsets(%dma_start3A_174 : memref<128xi32, #tpu.memory_space<vmem>>) semaphore(%arg9 : memref<!tpu.dma_semaphore, #tpu.memory_space<semaphore_mem>>)
    %dma_start3A_178 = arith.constant 1152 : i32
    %dma_start3A_179 = arith.constant 0 : i32
    %dma_start3A_180 = tpu.memref_slice %arg7[%dma_start3A_178, %dma_start3A_179] : memref<1664x32xf32, #tpu.memory_space<vmem>> -> memref<128x32xf32, #tpu.memory_space<vmem>>
    %dma_start3A_181 = arith.constant 2816 : i32
    %dma_start3A_182 = tpu.memref_slice %arg5[%dma_start3A_181] : memref<13312xi32, #tpu.memory_space<vmem>> -> memref<128xi32, #tpu.memory_space<vmem>>
    %dma_start3A_183 = arith.constant 0 : i32
    %dma_start3A_184 = arith.constant 0 : i32
    %dma_start3A_185 = tpu.memref_slice %arg3[%dma_start3A_183, %dma_start3A_184] : memref<1000000x32xf32, #tpu.memory_space<hbm>> -> memref<1000000x32xf32, #tpu.memory_space<hbm>>
    tpu.enqueue_indirect_dma source(%dma_start3A_185 : memref<1000000x32xf32, #tpu.memory_space<hbm>>) target(%dma_start3A_180 : memref<128x32xf32, #tpu.memory_space<vmem>>) offsets(%dma_start3A_182 : memref<128xi32, #tpu.memory_space<vmem>>) semaphore(%arg9 : memref<!tpu.dma_semaphore, #tpu.memory_space<semaphore_mem>>)
    %dma_start3A_186 = arith.constant 1280 : i32
    %dma_start3A_187 = arith.constant 0 : i32
    %dma_start3A_188 = tpu.memref_slice %arg7[%dma_start3A_186, %dma_start3A_187] : memref<1664x32xf32, #tpu.memory_space<vmem>> -> memref<128x32xf32, #tpu.memory_space<vmem>>
    %dma_start3A_189 = arith.constant 2944 : i32
    %dma_start3A_190 = tpu.memref_slice %arg5[%dma_start3A_189] : memref<13312xi32, #tpu.memory_space<vmem>> -> memref<128xi32, #tpu.memory_space<vmem>>
    %dma_start3A_191 = arith.constant 0 : i32
    %dma_start3A_192 = arith.constant 0 : i32
    %dma_start3A_193 = tpu.memref_slice %arg3[%dma_start3A_191, %dma_start3A_192] : memref<1000000x32xf32, #tpu.memory_space<hbm>> -> memref<1000000x32xf32, #tpu.memory_space<hbm>>
    tpu.enqueue_indirect_dma source(%dma_start3A_193 : memref<1000000x32xf32, #tpu.memory_space<hbm>>) target(%dma_start3A_188 : memref<128x32xf32, #tpu.memory_space<vmem>>) offsets(%dma_start3A_190 : memref<128xi32, #tpu.memory_space<vmem>>) semaphore(%arg9 : memref<!tpu.dma_semaphore, #tpu.memory_space<semaphore_mem>>)
    %dma_start3A_194 = arith.constant 1408 : i32
    %dma_start3A_195 = arith.constant 0 : i32
    %dma_start3A_196 = tpu.memref_slice %arg7[%dma_start3A_194, %dma_start3A_195] : memref<1664x32xf32, #tpu.memory_space<vmem>> -> memref<128x32xf32, #tpu.memory_space<vmem>>
    %dma_start3A_197 = arith.constant 3072 : i32
    %dma_start3A_198 = tpu.memref_slice %arg5[%dma_start3A_197] : memref<13312xi32, #tpu.memory_space<vmem>> -> memref<128xi32, #tpu.memory_space<vmem>>
    %dma_start3A_199 = arith.constant 0 : i32
    %dma_start3A_200 = arith.constant 0 : i32
    %dma_start3A_201 = tpu.memref_slice %arg3[%dma_start3A_199, %dma_start3A_200] : memref<1000000x32xf32, #tpu.memory_space<hbm>> -> memref<1000000x32xf32, #tpu.memory_space<hbm>>
    tpu.enqueue_indirect_dma source(%dma_start3A_201 : memref<1000000x32xf32, #tpu.memory_space<hbm>>) target(%dma_start3A_196 : memref<128x32xf32, #tpu.memory_space<vmem>>) offsets(%dma_start3A_198 : memref<128xi32, #tpu.memory_space<vmem>>) semaphore(%arg9 : memref<!tpu.dma_semaphore, #tpu.memory_space<semaphore_mem>>)
    %dma_start3A_202 = arith.constant 1536 : i32
    %dma_start3A_203 = arith.constant 0 : i32
    %dma_start3A_204 = tpu.memref_slice %arg7[%dma_start3A_202, %dma_start3A_203] : memref<1664x32xf32, #tpu.memory_space<vmem>> -> memref<128x32xf32, #tpu.memory_space<vmem>>
    %dma_start3A_205 = arith.constant 3200 : i32
    %dma_start3A_206 = tpu.memref_slice %arg5[%dma_start3A_205] : memref<13312xi32, #tpu.memory_space<vmem>> -> memref<128xi32, #tpu.memory_space<vmem>>
    %dma_start3A_207 = arith.constant 0 : i32
    %dma_start3A_208 = arith.constant 0 : i32
    %dma_start3A_209 = tpu.memref_slice %arg3[%dma_start3A_207, %dma_start3A_208] : memref<1000000x32xf32, #tpu.memory_space<hbm>> -> memref<1000000x32xf32, #tpu.memory_space<hbm>>
    tpu.enqueue_indirect_dma source(%dma_start3A_209 : memref<1000000x32xf32, #tpu.memory_space<hbm>>) target(%dma_start3A_204 : memref<128x32xf32, #tpu.memory_space<vmem>>) offsets(%dma_start3A_206 : memref<128xi32, #tpu.memory_space<vmem>>) semaphore(%arg9 : memref<!tpu.dma_semaphore, #tpu.memory_space<semaphore_mem>>)
    %scan3A = arith.constant 0 : i32
    %scan3A_210 = arith.constant 0 : i32
    %scan3A_211 = arith.constant 3 : i32
    %scan3A_212 = arith.addi %scan3A_210, %scan3A_211 : i32
    %scan3A_213 = arith.constant 1 : i32
    scf.for %scan3A_446 = %scan3A_210 to %scan3A_212 step %scan3A_213  : i32 {
      %mul3A_447 = arith.constant 2 : i32
      %mul3A_448 = arith.muli %mul3A_447, %scan3A_446 : i32
      %mul3A_449 = arith.constant 13 : i32
      %mul3A_450 = arith.muli %mul3A_448, %mul3A_449 : i32
      %add3A_451 = arith.constant 0 : i32
      %add3A_452 = arith.addi %mul3A_450, %add3A_451 : i32
      %mul3A_453 = arith.constant 128 : i32
      %mul3A_454 = arith.muli %add3A_452, %mul3A_453 : i32
      %dma_wait3A_455 = arith.constant 0 : i32
      %dma_wait3A_456 = arith.constant 0 : i32
      %dma_wait3A_457 = tpu.memref_slice %arg6[%dma_wait3A_455, %dma_wait3A_456] : memref<1664x32xf32, #tpu.memory_space<vmem>> -> memref<128x32xf32, #tpu.memory_space<vmem>>
      %dma_wait3A_458 = tpu.memref_slice %arg5[%mul3A_454] : memref<13312xi32, #tpu.memory_space<vmem>> -> memref<128xi32, #tpu.memory_space<vmem>>
      %dma_wait3A_459 = arith.constant 0 : i32
      %dma_wait3A_460 = arith.constant 0 : i32
      %dma_wait3A_461 = tpu.memref_slice %arg3[%dma_wait3A_459, %dma_wait3A_460] : memref<1000000x32xf32, #tpu.memory_space<hbm>> -> memref<1000000x32xf32, #tpu.memory_space<hbm>>
      tpu.wait_indirect_dma semaphore(%arg8 : memref<!tpu.dma_semaphore, #tpu.memory_space<semaphore_mem>>) src(%dma_wait3A_461 : memref<1000000x32xf32, #tpu.memory_space<hbm>>) dst(%dma_wait3A_457 : memref<128x32xf32, #tpu.memory_space<vmem>>)
      %mul3A_462 = arith.constant 13 : i32
      %mul3A_463 = arith.muli %mul3A_448, %mul3A_462 : i32
      %add3A_464 = arith.constant 1 : i32
      %add3A_465 = arith.addi %mul3A_463, %add3A_464 : i32
      %mul3A_466 = arith.constant 128 : i32
      %mul3A_467 = arith.muli %add3A_465, %mul3A_466 : i32
      %dma_wait3A_468 = arith.constant 128 : i32
      %dma_wait3A_469 = arith.constant 0 : i32
      %dma_wait3A_470 = tpu.memref_slice %arg6[%dma_wait3A_468, %dma_wait3A_469] : memref<1664x32xf32, #tpu.memory_space<vmem>> -> memref<128x32xf32, #tpu.memory_space<vmem>>
      %dma_wait3A_471 = tpu.memref_slice %arg5[%mul3A_467] : memref<13312xi32, #tpu.memory_space<vmem>> -> memref<128xi32, #tpu.memory_space<vmem>>
      %dma_wait3A_472 = arith.constant 0 : i32
      %dma_wait3A_473 = arith.constant 0 : i32
      %dma_wait3A_474 = tpu.memref_slice %arg3[%dma_wait3A_472, %dma_wait3A_473] : memref<1000000x32xf32, #tpu.memory_space<hbm>> -> memref<1000000x32xf32, #tpu.memory_space<hbm>>
      tpu.wait_indirect_dma semaphore(%arg8 : memref<!tpu.dma_semaphore, #tpu.memory_space<semaphore_mem>>) src(%dma_wait3A_474 : memref<1000000x32xf32, #tpu.memory_space<hbm>>) dst(%dma_wait3A_470 : memref<128x32xf32, #tpu.memory_space<vmem>>)
      %mul3A_475 = arith.constant 13 : i32
      %mul3A_476 = arith.muli %mul3A_448, %mul3A_475 : i32
      %add3A_477 = arith.constant 2 : i32
      %add3A_478 = arith.addi %mul3A_476, %add3A_477 : i32
      %mul3A_479 = arith.constant 128 : i32
      %mul3A_480 = arith.muli %add3A_478, %mul3A_479 : i32
      %dma_wait3A_481 = arith.constant 256 : i32
      %dma_wait3A_482 = arith.constant 0 : i32
      %dma_wait3A_483 = tpu.memref_slice %arg6[%dma_wait3A_481, %dma_wait3A_482] : memref<1664x32xf32, #tpu.memory_space<vmem>> -> memref<128x32xf32, #tpu.memory_space<vmem>>
      %dma_wait3A_484 = tpu.memref_slice %arg5[%mul3A_480] : memref<13312xi32, #tpu.memory_space<vmem>> -> memref<128xi32, #tpu.memory_space<vmem>>
      %dma_wait3A_485 = arith.constant 0 : i32
      %dma_wait3A_486 = arith.constant 0 : i32
      %dma_wait3A_487 = tpu.memref_slice %arg3[%dma_wait3A_485, %dma_wait3A_486] : memref<1000000x32xf32, #tpu.memory_space<hbm>> -> memref<1000000x32xf32, #tpu.memory_space<hbm>>
      tpu.wait_indirect_dma semaphore(%arg8 : memref<!tpu.dma_semaphore, #tpu.memory_space<semaphore_mem>>) src(%dma_wait3A_487 : memref<1000000x32xf32, #tpu.memory_space<hbm>>) dst(%dma_wait3A_483 : memref<128x32xf32, #tpu.memory_space<vmem>>)
      %mul3A_488 = arith.constant 13 : i32
      %mul3A_489 = arith.muli %mul3A_448, %mul3A_488 : i32
      %add3A_490 = arith.constant 3 : i32
      %add3A_491 = arith.addi %mul3A_489, %add3A_490 : i32
      %mul3A_492 = arith.constant 128 : i32
      %mul3A_493 = arith.muli %add3A_491, %mul3A_492 : i32
      %dma_wait3A_494 = arith.constant 384 : i32
      %dma_wait3A_495 = arith.constant 0 : i32
      %dma_wait3A_496 = tpu.memref_slice %arg6[%dma_wait3A_494, %dma_wait3A_495] : memref<1664x32xf32, #tpu.memory_space<vmem>> -> memref<128x32xf32, #tpu.memory_space<vmem>>
      %dma_wait3A_497 = tpu.memref_slice %arg5[%mul3A_493] : memref<13312xi32, #tpu.memory_space<vmem>> -> memref<128xi32, #tpu.memory_space<vmem>>
      %dma_wait3A_498 = arith.constant 0 : i32
      %dma_wait3A_499 = arith.constant 0 : i32
      %dma_wait3A_500 = tpu.memref_slice %arg3[%dma_wait3A_498, %dma_wait3A_499] : memref<1000000x32xf32, #tpu.memory_space<hbm>> -> memref<1000000x32xf32, #tpu.memory_space<hbm>>
      tpu.wait_indirect_dma semaphore(%arg8 : memref<!tpu.dma_semaphore, #tpu.memory_space<semaphore_mem>>) src(%dma_wait3A_500 : memref<1000000x32xf32, #tpu.memory_space<hbm>>) dst(%dma_wait3A_496 : memref<128x32xf32, #tpu.memory_space<vmem>>)
      %mul3A_501 = arith.constant 13 : i32
      %mul3A_502 = arith.muli %mul3A_448, %mul3A_501 : i32
      %add3A_503 = arith.constant 4 : i32
      %add3A_504 = arith.addi %mul3A_502, %add3A_503 : i32
      %mul3A_505 = arith.constant 128 : i32
      %mul3A_506 = arith.muli %add3A_504, %mul3A_505 : i32
      %dma_wait3A_507 = arith.constant 512 : i32
      %dma_wait3A_508 = arith.constant 0 : i32
      %dma_wait3A_509 = tpu.memref_slice %arg6[%dma_wait3A_507, %dma_wait3A_508] : memref<1664x32xf32, #tpu.memory_space<vmem>> -> memref<128x32xf32, #tpu.memory_space<vmem>>
      %dma_wait3A_510 = tpu.memref_slice %arg5[%mul3A_506] : memref<13312xi32, #tpu.memory_space<vmem>> -> memref<128xi32, #tpu.memory_space<vmem>>
      %dma_wait3A_511 = arith.constant 0 : i32
      %dma_wait3A_512 = arith.constant 0 : i32
      %dma_wait3A_513 = tpu.memref_slice %arg3[%dma_wait3A_511, %dma_wait3A_512] : memref<1000000x32xf32, #tpu.memory_space<hbm>> -> memref<1000000x32xf32, #tpu.memory_space<hbm>>
      tpu.wait_indirect_dma semaphore(%arg8 : memref<!tpu.dma_semaphore, #tpu.memory_space<semaphore_mem>>) src(%dma_wait3A_513 : memref<1000000x32xf32, #tpu.memory_space<hbm>>) dst(%dma_wait3A_509 : memref<128x32xf32, #tpu.memory_space<vmem>>)
      %mul3A_514 = arith.constant 13 : i32
      %mul3A_515 = arith.muli %mul3A_448, %mul3A_514 : i32
      %add3A_516 = arith.constant 5 : i32
      %add3A_517 = arith.addi %mul3A_515, %add3A_516 : i32
      %mul3A_518 = arith.constant 128 : i32
      %mul3A_519 = arith.muli %add3A_517, %mul3A_518 : i32
      %dma_wait3A_520 = arith.constant 640 : i32
      %dma_wait3A_521 = arith.constant 0 : i32
      %dma_wait3A_522 = tpu.memref_slice %arg6[%dma_wait3A_520, %dma_wait3A_521] : memref<1664x32xf32, #tpu.memory_space<vmem>> -> memref<128x32xf32, #tpu.memory_space<vmem>>
      %dma_wait3A_523 = tpu.memref_slice %arg5[%mul3A_519] : memref<13312xi32, #tpu.memory_space<vmem>> -> memref<128xi32, #tpu.memory_space<vmem>>
      %dma_wait3A_524 = arith.constant 0 : i32
      %dma_wait3A_525 = arith.constant 0 : i32
      %dma_wait3A_526 = tpu.memref_slice %arg3[%dma_wait3A_524, %dma_wait3A_525] : memref<1000000x32xf32, #tpu.memory_space<hbm>> -> memref<1000000x32xf32, #tpu.memory_space<hbm>>
      tpu.wait_indirect_dma semaphore(%arg8 : memref<!tpu.dma_semaphore, #tpu.memory_space<semaphore_mem>>) src(%dma_wait3A_526 : memref<1000000x32xf32, #tpu.memory_space<hbm>>) dst(%dma_wait3A_522 : memref<128x32xf32, #tpu.memory_space<vmem>>)
      %mul3A_527 = arith.constant 13 : i32
      %mul3A_528 = arith.muli %mul3A_448, %mul3A_527 : i32
      %add3A_529 = arith.constant 6 : i32
      %add3A_530 = arith.addi %mul3A_528, %add3A_529 : i32
      %mul3A_531 = arith.constant 128 : i32
      %mul3A_532 = arith.muli %add3A_530, %mul3A_531 : i32
      %dma_wait3A_533 = arith.constant 768 : i32
      %dma_wait3A_534 = arith.constant 0 : i32
      %dma_wait3A_535 = tpu.memref_slice %arg6[%dma_wait3A_533, %dma_wait3A_534] : memref<1664x32xf32, #tpu.memory_space<vmem>> -> memref<128x32xf32, #tpu.memory_space<vmem>>
      %dma_wait3A_536 = tpu.memref_slice %arg5[%mul3A_532] : memref<13312xi32, #tpu.memory_space<vmem>> -> memref<128xi32, #tpu.memory_space<vmem>>
      %dma_wait3A_537 = arith.constant 0 : i32
      %dma_wait3A_538 = arith.constant 0 : i32
      %dma_wait3A_539 = tpu.memref_slice %arg3[%dma_wait3A_537, %dma_wait3A_538] : memref<1000000x32xf32, #tpu.memory_space<hbm>> -> memref<1000000x32xf32, #tpu.memory_space<hbm>>
      tpu.wait_indirect_dma semaphore(%arg8 : memref<!tpu.dma_semaphore, #tpu.memory_space<semaphore_mem>>) src(%dma_wait3A_539 : memref<1000000x32xf32, #tpu.memory_space<hbm>>) dst(%dma_wait3A_535 : memref<128x32xf32, #tpu.memory_space<vmem>>)
      %mul3A_540 = arith.constant 13 : i32
      %mul3A_541 = arith.muli %mul3A_448, %mul3A_540 : i32
      %add3A_542 = arith.constant 7 : i32
      %add3A_543 = arith.addi %mul3A_541, %add3A_542 : i32
      %mul3A_544 = arith.constant 128 : i32
      %mul3A_545 = arith.muli %add3A_543, %mul3A_544 : i32
      %dma_wait3A_546 = arith.constant 896 : i32
      %dma_wait3A_547 = arith.constant 0 : i32
      %dma_wait3A_548 = tpu.memref_slice %arg6[%dma_wait3A_546, %dma_wait3A_547] : memref<1664x32xf32, #tpu.memory_space<vmem>> -> memref<128x32xf32, #tpu.memory_space<vmem>>
      %dma_wait3A_549 = tpu.memref_slice %arg5[%mul3A_545] : memref<13312xi32, #tpu.memory_space<vmem>> -> memref<128xi32, #tpu.memory_space<vmem>>
      %dma_wait3A_550 = arith.constant 0 : i32
      %dma_wait3A_551 = arith.constant 0 : i32
      %dma_wait3A_552 = tpu.memref_slice %arg3[%dma_wait3A_550, %dma_wait3A_551] : memref<1000000x32xf32, #tpu.memory_space<hbm>> -> memref<1000000x32xf32, #tpu.memory_space<hbm>>
      tpu.wait_indirect_dma semaphore(%arg8 : memref<!tpu.dma_semaphore, #tpu.memory_space<semaphore_mem>>) src(%dma_wait3A_552 : memref<1000000x32xf32, #tpu.memory_space<hbm>>) dst(%dma_wait3A_548 : memref<128x32xf32, #tpu.memory_space<vmem>>)
      %mul3A_553 = arith.constant 13 : i32
      %mul3A_554 = arith.muli %mul3A_448, %mul3A_553 : i32
      %add3A_555 = arith.constant 8 : i32
      %add3A_556 = arith.addi %mul3A_554, %add3A_555 : i32
      %mul3A_557 = arith.constant 128 : i32
      %mul3A_558 = arith.muli %add3A_556, %mul3A_557 : i32
      %dma_wait3A_559 = arith.constant 1024 : i32
      %dma_wait3A_560 = arith.constant 0 : i32
      %dma_wait3A_561 = tpu.memref_slice %arg6[%dma_wait3A_559, %dma_wait3A_560] : memref<1664x32xf32, #tpu.memory_space<vmem>> -> memref<128x32xf32, #tpu.memory_space<vmem>>
      %dma_wait3A_562 = tpu.memref_slice %arg5[%mul3A_558] : memref<13312xi32, #tpu.memory_space<vmem>> -> memref<128xi32, #tpu.memory_space<vmem>>
      %dma_wait3A_563 = arith.constant 0 : i32
      %dma_wait3A_564 = arith.constant 0 : i32
      %dma_wait3A_565 = tpu.memref_slice %arg3[%dma_wait3A_563, %dma_wait3A_564] : memref<1000000x32xf32, #tpu.memory_space<hbm>> -> memref<1000000x32xf32, #tpu.memory_space<hbm>>
      tpu.wait_indirect_dma semaphore(%arg8 : memref<!tpu.dma_semaphore, #tpu.memory_space<semaphore_mem>>) src(%dma_wait3A_565 : memref<1000000x32xf32, #tpu.memory_space<hbm>>) dst(%dma_wait3A_561 : memref<128x32xf32, #tpu.memory_space<vmem>>)
      %mul3A_566 = arith.constant 13 : i32
      %mul3A_567 = arith.muli %mul3A_448, %mul3A_566 : i32
      %add3A_568 = arith.constant 9 : i32
      %add3A_569 = arith.addi %mul3A_567, %add3A_568 : i32
      %mul3A_570 = arith.constant 128 : i32
      %mul3A_571 = arith.muli %add3A_569, %mul3A_570 : i32
      %dma_wait3A_572 = arith.constant 1152 : i32
      %dma_wait3A_573 = arith.constant 0 : i32
      %dma_wait3A_574 = tpu.memref_slice %arg6[%dma_wait3A_572, %dma_wait3A_573] : memref<1664x32xf32, #tpu.memory_space<vmem>> -> memref<128x32xf32, #tpu.memory_space<vmem>>
      %dma_wait3A_575 = tpu.memref_slice %arg5[%mul3A_571] : memref<13312xi32, #tpu.memory_space<vmem>> -> memref<128xi32, #tpu.memory_space<vmem>>
      %dma_wait3A_576 = arith.constant 0 : i32
      %dma_wait3A_577 = arith.constant 0 : i32
      %dma_wait3A_578 = tpu.memref_slice %arg3[%dma_wait3A_576, %dma_wait3A_577] : memref<1000000x32xf32, #tpu.memory_space<hbm>> -> memref<1000000x32xf32, #tpu.memory_space<hbm>>
      tpu.wait_indirect_dma semaphore(%arg8 : memref<!tpu.dma_semaphore, #tpu.memory_space<semaphore_mem>>) src(%dma_wait3A_578 : memref<1000000x32xf32, #tpu.memory_space<hbm>>) dst(%dma_wait3A_574 : memref<128x32xf32, #tpu.memory_space<vmem>>)
      %mul3A_579 = arith.constant 13 : i32
      %mul3A_580 = arith.muli %mul3A_448, %mul3A_579 : i32
      %add3A_581 = arith.constant 10 : i32
      %add3A_582 = arith.addi %mul3A_580, %add3A_581 : i32
      %mul3A_583 = arith.constant 128 : i32
      %mul3A_584 = arith.muli %add3A_582, %mul3A_583 : i32
      %dma_wait3A_585 = arith.constant 1280 : i32
      %dma_wait3A_586 = arith.constant 0 : i32
      %dma_wait3A_587 = tpu.memref_slice %arg6[%dma_wait3A_585, %dma_wait3A_586] : memref<1664x32xf32, #tpu.memory_space<vmem>> -> memref<128x32xf32, #tpu.memory_space<vmem>>
      %dma_wait3A_588 = tpu.memref_slice %arg5[%mul3A_584] : memref<13312xi32, #tpu.memory_space<vmem>> -> memref<128xi32, #tpu.memory_space<vmem>>
      %dma_wait3A_589 = arith.constant 0 : i32
      %dma_wait3A_590 = arith.constant 0 : i32
      %dma_wait3A_591 = tpu.memref_slice %arg3[%dma_wait3A_589, %dma_wait3A_590] : memref<1000000x32xf32, #tpu.memory_space<hbm>> -> memref<1000000x32xf32, #tpu.memory_space<hbm>>
      tpu.wait_indirect_dma semaphore(%arg8 : memref<!tpu.dma_semaphore, #tpu.memory_space<semaphore_mem>>) src(%dma_wait3A_591 : memref<1000000x32xf32, #tpu.memory_space<hbm>>) dst(%dma_wait3A_587 : memref<128x32xf32, #tpu.memory_space<vmem>>)
      %mul3A_592 = arith.constant 13 : i32
      %mul3A_593 = arith.muli %mul3A_448, %mul3A_592 : i32
      %add3A_594 = arith.constant 11 : i32
      %add3A_595 = arith.addi %mul3A_593, %add3A_594 : i32
      %mul3A_596 = arith.constant 128 : i32
      %mul3A_597 = arith.muli %add3A_595, %mul3A_596 : i32
      %dma_wait3A_598 = arith.constant 1408 : i32
      %dma_wait3A_599 = arith.constant 0 : i32
      %dma_wait3A_600 = tpu.memref_slice %arg6[%dma_wait3A_598, %dma_wait3A_599] : memref<1664x32xf32, #tpu.memory_space<vmem>> -> memref<128x32xf32, #tpu.memory_space<vmem>>
      %dma_wait3A_601 = tpu.memref_slice %arg5[%mul3A_597] : memref<13312xi32, #tpu.memory_space<vmem>> -> memref<128xi32, #tpu.memory_space<vmem>>
      %dma_wait3A_602 = arith.constant 0 : i32
      %dma_wait3A_603 = arith.constant 0 : i32
      %dma_wait3A_604 = tpu.memref_slice %arg3[%dma_wait3A_602, %dma_wait3A_603] : memref<1000000x32xf32, #tpu.memory_space<hbm>> -> memref<1000000x32xf32, #tpu.memory_space<hbm>>
      tpu.wait_indirect_dma semaphore(%arg8 : memref<!tpu.dma_semaphore, #tpu.memory_space<semaphore_mem>>) src(%dma_wait3A_604 : memref<1000000x32xf32, #tpu.memory_space<hbm>>) dst(%dma_wait3A_600 : memref<128x32xf32, #tpu.memory_space<vmem>>)
      %mul3A_605 = arith.constant 13 : i32
      %mul3A_606 = arith.muli %mul3A_448, %mul3A_605 : i32
      %add3A_607 = arith.constant 12 : i32
      %add3A_608 = arith.addi %mul3A_606, %add3A_607 : i32
      %mul3A_609 = arith.constant 128 : i32
      %mul3A_610 = arith.muli %add3A_608, %mul3A_609 : i32
      %dma_wait3A_611 = arith.constant 1536 : i32
      %dma_wait3A_612 = arith.constant 0 : i32
      %dma_wait3A_613 = tpu.memref_slice %arg6[%dma_wait3A_611, %dma_wait3A_612] : memref<1664x32xf32, #tpu.memory_space<vmem>> -> memref<128x32xf32, #tpu.memory_space<vmem>>
      %dma_wait3A_614 = tpu.memref_slice %arg5[%mul3A_610] : memref<13312xi32, #tpu.memory_space<vmem>> -> memref<128xi32, #tpu.memory_space<vmem>>
      %dma_wait3A_615 = arith.constant 0 : i32
      %dma_wait3A_616 = arith.constant 0 : i32
      %dma_wait3A_617 = tpu.memref_slice %arg3[%dma_wait3A_615, %dma_wait3A_616] : memref<1000000x32xf32, #tpu.memory_space<hbm>> -> memref<1000000x32xf32, #tpu.memory_space<hbm>>
      tpu.wait_indirect_dma semaphore(%arg8 : memref<!tpu.dma_semaphore, #tpu.memory_space<semaphore_mem>>) src(%dma_wait3A_617 : memref<1000000x32xf32, #tpu.memory_space<hbm>>) dst(%dma_wait3A_613 : memref<128x32xf32, #tpu.memory_space<vmem>>)
      %mul3A_618 = arith.constant 1664 : i32
      %mul3A_619 = arith.muli %mul3A_448, %mul3A_618 : i32
      %add3A_620 = arith.addi %mul3A_2, %mul3A_619 : i32
      %dma_start3A_621 = arith.constant 0 : i32
      %dma_start3A_622 = tpu.memref_slice %arg4[%add3A_620, %dma_start3A_621] : memref<425984x32xf32, #tpu.memory_space<hbm>> -> memref<1664x32xf32, #tpu.memory_space<hbm>>
      %dma_start3A_623 = arith.constant 0 : i32
      %dma_start3A_624 = tpu.memref_slice %arg4[%add3A_620, %dma_start3A_623] : memref<425984x32xf32, #tpu.memory_space<hbm>> -> memref<1664x32xf32, #tpu.memory_space<hbm>>
      tpu.enqueue_dma source(%arg6 : memref<1664x32xf32, #tpu.memory_space<vmem>>) target(%dma_start3A_624 : memref<1664x32xf32, #tpu.memory_space<hbm>>) target_semaphore(%arg10 : memref<!tpu.dma_semaphore, #tpu.memory_space<semaphore_mem>>)
      %add3A_625 = arith.constant 1 : i32
      %add3A_626 = arith.addi %mul3A_448, %add3A_625 : i32
      %mul3A_627 = arith.constant 13 : i32
      %mul3A_628 = arith.muli %add3A_626, %mul3A_627 : i32
      %add3A_629 = arith.constant 0 : i32
      %add3A_630 = arith.addi %mul3A_628, %add3A_629 : i32
      %mul3A_631 = arith.constant 128 : i32
      %mul3A_632 = arith.muli %add3A_630, %mul3A_631 : i32
      %dma_wait3A_633 = arith.constant 0 : i32
      %dma_wait3A_634 = arith.constant 0 : i32
      %dma_wait3A_635 = tpu.memref_slice %arg7[%dma_wait3A_633, %dma_wait3A_634] : memref<1664x32xf32, #tpu.memory_space<vmem>> -> memref<128x32xf32, #tpu.memory_space<vmem>>
      %dma_wait3A_636 = tpu.memref_slice %arg5[%mul3A_632] : memref<13312xi32, #tpu.memory_space<vmem>> -> memref<128xi32, #tpu.memory_space<vmem>>
      %dma_wait3A_637 = arith.constant 0 : i32
      %dma_wait3A_638 = arith.constant 0 : i32
      %dma_wait3A_639 = tpu.memref_slice %arg3[%dma_wait3A_637, %dma_wait3A_638] : memref<1000000x32xf32, #tpu.memory_space<hbm>> -> memref<1000000x32xf32, #tpu.memory_space<hbm>>
      tpu.wait_indirect_dma semaphore(%arg9 : memref<!tpu.dma_semaphore, #tpu.memory_space<semaphore_mem>>) src(%dma_wait3A_639 : memref<1000000x32xf32, #tpu.memory_space<hbm>>) dst(%dma_wait3A_635 : memref<128x32xf32, #tpu.memory_space<vmem>>)
      %mul3A_640 = arith.constant 13 : i32
      %mul3A_641 = arith.muli %add3A_626, %mul3A_640 : i32
      %add3A_642 = arith.constant 1 : i32
      %add3A_643 = arith.addi %mul3A_641, %add3A_642 : i32
      %mul3A_644 = arith.constant 128 : i32
      %mul3A_645 = arith.muli %add3A_643, %mul3A_644 : i32
      %dma_wait3A_646 = arith.constant 128 : i32
      %dma_wait3A_647 = arith.constant 0 : i32
      %dma_wait3A_648 = tpu.memref_slice %arg7[%dma_wait3A_646, %dma_wait3A_647] : memref<1664x32xf32, #tpu.memory_space<vmem>> -> memref<128x32xf32, #tpu.memory_space<vmem>>
      %dma_wait3A_649 = tpu.memref_slice %arg5[%mul3A_645] : memref<13312xi32, #tpu.memory_space<vmem>> -> memref<128xi32, #tpu.memory_space<vmem>>
      %dma_wait3A_650 = arith.constant 0 : i32
      %dma_wait3A_651 = arith.constant 0 : i32
      %dma_wait3A_652 = tpu.memref_slice %arg3[%dma_wait3A_650, %dma_wait3A_651] : memref<1000000x32xf32, #tpu.memory_space<hbm>> -> memref<1000000x32xf32, #tpu.memory_space<hbm>>
      tpu.wait_indirect_dma semaphore(%arg9 : memref<!tpu.dma_semaphore, #tpu.memory_space<semaphore_mem>>) src(%dma_wait3A_652 : memref<1000000x32xf32, #tpu.memory_space<hbm>>) dst(%dma_wait3A_648 : memref<128x32xf32, #tpu.memory_space<vmem>>)
      %mul3A_653 = arith.constant 13 : i32
      %mul3A_654 = arith.muli %add3A_626, %mul3A_653 : i32
      %add3A_655 = arith.constant 2 : i32
      %add3A_656 = arith.addi %mul3A_654, %add3A_655 : i32
      %mul3A_657 = arith.constant 128 : i32
      %mul3A_658 = arith.muli %add3A_656, %mul3A_657 : i32
      %dma_wait3A_659 = arith.constant 256 : i32
      %dma_wait3A_660 = arith.constant 0 : i32
      %dma_wait3A_661 = tpu.memref_slice %arg7[%dma_wait3A_659, %dma_wait3A_660] : memref<1664x32xf32, #tpu.memory_space<vmem>> -> memref<128x32xf32, #tpu.memory_space<vmem>>
      %dma_wait3A_662 = tpu.memref_slice %arg5[%mul3A_658] : memref<13312xi32, #tpu.memory_space<vmem>> -> memref<128xi32, #tpu.memory_space<vmem>>
      %dma_wait3A_663 = arith.constant 0 : i32
      %dma_wait3A_664 = arith.constant 0 : i32
      %dma_wait3A_665 = tpu.memref_slice %arg3[%dma_wait3A_663, %dma_wait3A_664] : memref<1000000x32xf32, #tpu.memory_space<hbm>> -> memref<1000000x32xf32, #tpu.memory_space<hbm>>
      tpu.wait_indirect_dma semaphore(%arg9 : memref<!tpu.dma_semaphore, #tpu.memory_space<semaphore_mem>>) src(%dma_wait3A_665 : memref<1000000x32xf32, #tpu.memory_space<hbm>>) dst(%dma_wait3A_661 : memref<128x32xf32, #tpu.memory_space<vmem>>)
      %mul3A_666 = arith.constant 13 : i32
      %mul3A_667 = arith.muli %add3A_626, %mul3A_666 : i32
      %add3A_668 = arith.constant 3 : i32
      %add3A_669 = arith.addi %mul3A_667, %add3A_668 : i32
      %mul3A_670 = arith.constant 128 : i32
      %mul3A_671 = arith.muli %add3A_669, %mul3A_670 : i32
      %dma_wait3A_672 = arith.constant 384 : i32
      %dma_wait3A_673 = arith.constant 0 : i32
      %dma_wait3A_674 = tpu.memref_slice %arg7[%dma_wait3A_672, %dma_wait3A_673] : memref<1664x32xf32, #tpu.memory_space<vmem>> -> memref<128x32xf32, #tpu.memory_space<vmem>>
      %dma_wait3A_675 = tpu.memref_slice %arg5[%mul3A_671] : memref<13312xi32, #tpu.memory_space<vmem>> -> memref<128xi32, #tpu.memory_space<vmem>>
      %dma_wait3A_676 = arith.constant 0 : i32
      %dma_wait3A_677 = arith.constant 0 : i32
      %dma_wait3A_678 = tpu.memref_slice %arg3[%dma_wait3A_676, %dma_wait3A_677] : memref<1000000x32xf32, #tpu.memory_space<hbm>> -> memref<1000000x32xf32, #tpu.memory_space<hbm>>
      tpu.wait_indirect_dma semaphore(%arg9 : memref<!tpu.dma_semaphore, #tpu.memory_space<semaphore_mem>>) src(%dma_wait3A_678 : memref<1000000x32xf32, #tpu.memory_space<hbm>>) dst(%dma_wait3A_674 : memref<128x32xf32, #tpu.memory_space<vmem>>)
      %mul3A_679 = arith.constant 13 : i32
      %mul3A_680 = arith.muli %add3A_626, %mul3A_679 : i32
      %add3A_681 = arith.constant 4 : i32
      %add3A_682 = arith.addi %mul3A_680, %add3A_681 : i32
      %mul3A_683 = arith.constant 128 : i32
      %mul3A_684 = arith.muli %add3A_682, %mul3A_683 : i32
      %dma_wait3A_685 = arith.constant 512 : i32
      %dma_wait3A_686 = arith.constant 0 : i32
      %dma_wait3A_687 = tpu.memref_slice %arg7[%dma_wait3A_685, %dma_wait3A_686] : memref<1664x32xf32, #tpu.memory_space<vmem>> -> memref<128x32xf32, #tpu.memory_space<vmem>>
      %dma_wait3A_688 = tpu.memref_slice %arg5[%mul3A_684] : memref<13312xi32, #tpu.memory_space<vmem>> -> memref<128xi32, #tpu.memory_space<vmem>>
      %dma_wait3A_689 = arith.constant 0 : i32
      %dma_wait3A_690 = arith.constant 0 : i32
      %dma_wait3A_691 = tpu.memref_slice %arg3[%dma_wait3A_689, %dma_wait3A_690] : memref<1000000x32xf32, #tpu.memory_space<hbm>> -> memref<1000000x32xf32, #tpu.memory_space<hbm>>
      tpu.wait_indirect_dma semaphore(%arg9 : memref<!tpu.dma_semaphore, #tpu.memory_space<semaphore_mem>>) src(%dma_wait3A_691 : memref<1000000x32xf32, #tpu.memory_space<hbm>>) dst(%dma_wait3A_687 : memref<128x32xf32, #tpu.memory_space<vmem>>)
      %mul3A_692 = arith.constant 13 : i32
      %mul3A_693 = arith.muli %add3A_626, %mul3A_692 : i32
      %add3A_694 = arith.constant 5 : i32
      %add3A_695 = arith.addi %mul3A_693, %add3A_694 : i32
      %mul3A_696 = arith.constant 128 : i32
      %mul3A_697 = arith.muli %add3A_695, %mul3A_696 : i32
      %dma_wait3A_698 = arith.constant 640 : i32
      %dma_wait3A_699 = arith.constant 0 : i32
      %dma_wait3A_700 = tpu.memref_slice %arg7[%dma_wait3A_698, %dma_wait3A_699] : memref<1664x32xf32, #tpu.memory_space<vmem>> -> memref<128x32xf32, #tpu.memory_space<vmem>>
      %dma_wait3A_701 = tpu.memref_slice %arg5[%mul3A_697] : memref<13312xi32, #tpu.memory_space<vmem>> -> memref<128xi32, #tpu.memory_space<vmem>>
      %dma_wait3A_702 = arith.constant 0 : i32
      %dma_wait3A_703 = arith.constant 0 : i32
      %dma_wait3A_704 = tpu.memref_slice %arg3[%dma_wait3A_702, %dma_wait3A_703] : memref<1000000x32xf32, #tpu.memory_space<hbm>> -> memref<1000000x32xf32, #tpu.memory_space<hbm>>
      tpu.wait_indirect_dma semaphore(%arg9 : memref<!tpu.dma_semaphore, #tpu.memory_space<semaphore_mem>>) src(%dma_wait3A_704 : memref<1000000x32xf32, #tpu.memory_space<hbm>>) dst(%dma_wait3A_700 : memref<128x32xf32, #tpu.memory_space<vmem>>)
      %mul3A_705 = arith.constant 13 : i32
      %mul3A_706 = arith.muli %add3A_626, %mul3A_705 : i32
      %add3A_707 = arith.constant 6 : i32
      %add3A_708 = arith.addi %mul3A_706, %add3A_707 : i32
      %mul3A_709 = arith.constant 128 : i32
      %mul3A_710 = arith.muli %add3A_708, %mul3A_709 : i32
      %dma_wait3A_711 = arith.constant 768 : i32
      %dma_wait3A_712 = arith.constant 0 : i32
      %dma_wait3A_713 = tpu.memref_slice %arg7[%dma_wait3A_711, %dma_wait3A_712] : memref<1664x32xf32, #tpu.memory_space<vmem>> -> memref<128x32xf32, #tpu.memory_space<vmem>>
      %dma_wait3A_714 = tpu.memref_slice %arg5[%mul3A_710] : memref<13312xi32, #tpu.memory_space<vmem>> -> memref<128xi32, #tpu.memory_space<vmem>>
      %dma_wait3A_715 = arith.constant 0 : i32
      %dma_wait3A_716 = arith.constant 0 : i32
      %dma_wait3A_717 = tpu.memref_slice %arg3[%dma_wait3A_715, %dma_wait3A_716] : memref<1000000x32xf32, #tpu.memory_space<hbm>> -> memref<1000000x32xf32, #tpu.memory_space<hbm>>
      tpu.wait_indirect_dma semaphore(%arg9 : memref<!tpu.dma_semaphore, #tpu.memory_space<semaphore_mem>>) src(%dma_wait3A_717 : memref<1000000x32xf32, #tpu.memory_space<hbm>>) dst(%dma_wait3A_713 : memref<128x32xf32, #tpu.memory_space<vmem>>)
      %mul3A_718 = arith.constant 13 : i32
      %mul3A_719 = arith.muli %add3A_626, %mul3A_718 : i32
      %add3A_720 = arith.constant 7 : i32
      %add3A_721 = arith.addi %mul3A_719, %add3A_720 : i32
      %mul3A_722 = arith.constant 128 : i32
      %mul3A_723 = arith.muli %add3A_721, %mul3A_722 : i32
      %dma_wait3A_724 = arith.constant 896 : i32
      %dma_wait3A_725 = arith.constant 0 : i32
      %dma_wait3A_726 = tpu.memref_slice %arg7[%dma_wait3A_724, %dma_wait3A_725] : memref<1664x32xf32, #tpu.memory_space<vmem>> -> memref<128x32xf32, #tpu.memory_space<vmem>>
      %dma_wait3A_727 = tpu.memref_slice %arg5[%mul3A_723] : memref<13312xi32, #tpu.memory_space<vmem>> -> memref<128xi32, #tpu.memory_space<vmem>>
      %dma_wait3A_728 = arith.constant 0 : i32
      %dma_wait3A_729 = arith.constant 0 : i32
      %dma_wait3A_730 = tpu.memref_slice %arg3[%dma_wait3A_728, %dma_wait3A_729] : memref<1000000x32xf32, #tpu.memory_space<hbm>> -> memref<1000000x32xf32, #tpu.memory_space<hbm>>
      tpu.wait_indirect_dma semaphore(%arg9 : memref<!tpu.dma_semaphore, #tpu.memory_space<semaphore_mem>>) src(%dma_wait3A_730 : memref<1000000x32xf32, #tpu.memory_space<hbm>>) dst(%dma_wait3A_726 : memref<128x32xf32, #tpu.memory_space<vmem>>)
      %mul3A_731 = arith.constant 13 : i32
      %mul3A_732 = arith.muli %add3A_626, %mul3A_731 : i32
      %add3A_733 = arith.constant 8 : i32
      %add3A_734 = arith.addi %mul3A_732, %add3A_733 : i32
      %mul3A_735 = arith.constant 128 : i32
      %mul3A_736 = arith.muli %add3A_734, %mul3A_735 : i32
      %dma_wait3A_737 = arith.constant 1024 : i32
      %dma_wait3A_738 = arith.constant 0 : i32
      %dma_wait3A_739 = tpu.memref_slice %arg7[%dma_wait3A_737, %dma_wait3A_738] : memref<1664x32xf32, #tpu.memory_space<vmem>> -> memref<128x32xf32, #tpu.memory_space<vmem>>
      %dma_wait3A_740 = tpu.memref_slice %arg5[%mul3A_736] : memref<13312xi32, #tpu.memory_space<vmem>> -> memref<128xi32, #tpu.memory_space<vmem>>
      %dma_wait3A_741 = arith.constant 0 : i32
      %dma_wait3A_742 = arith.constant 0 : i32
      %dma_wait3A_743 = tpu.memref_slice %arg3[%dma_wait3A_741, %dma_wait3A_742] : memref<1000000x32xf32, #tpu.memory_space<hbm>> -> memref<1000000x32xf32, #tpu.memory_space<hbm>>
      tpu.wait_indirect_dma semaphore(%arg9 : memref<!tpu.dma_semaphore, #tpu.memory_space<semaphore_mem>>) src(%dma_wait3A_743 : memref<1000000x32xf32, #tpu.memory_space<hbm>>) dst(%dma_wait3A_739 : memref<128x32xf32, #tpu.memory_space<vmem>>)
      %mul3A_744 = arith.constant 13 : i32
      %mul3A_745 = arith.muli %add3A_626, %mul3A_744 : i32
      %add3A_746 = arith.constant 9 : i32
      %add3A_747 = arith.addi %mul3A_745, %add3A_746 : i32
      %mul3A_748 = arith.constant 128 : i32
      %mul3A_749 = arith.muli %add3A_747, %mul3A_748 : i32
      %dma_wait3A_750 = arith.constant 1152 : i32
      %dma_wait3A_751 = arith.constant 0 : i32
      %dma_wait3A_752 = tpu.memref_slice %arg7[%dma_wait3A_750, %dma_wait3A_751] : memref<1664x32xf32, #tpu.memory_space<vmem>> -> memref<128x32xf32, #tpu.memory_space<vmem>>
      %dma_wait3A_753 = tpu.memref_slice %arg5[%mul3A_749] : memref<13312xi32, #tpu.memory_space<vmem>> -> memref<128xi32, #tpu.memory_space<vmem>>
      %dma_wait3A_754 = arith.constant 0 : i32
      %dma_wait3A_755 = arith.constant 0 : i32
      %dma_wait3A_756 = tpu.memref_slice %arg3[%dma_wait3A_754, %dma_wait3A_755] : memref<1000000x32xf32, #tpu.memory_space<hbm>> -> memref<1000000x32xf32, #tpu.memory_space<hbm>>
      tpu.wait_indirect_dma semaphore(%arg9 : memref<!tpu.dma_semaphore, #tpu.memory_space<semaphore_mem>>) src(%dma_wait3A_756 : memref<1000000x32xf32, #tpu.memory_space<hbm>>) dst(%dma_wait3A_752 : memref<128x32xf32, #tpu.memory_space<vmem>>)
      %mul3A_757 = arith.constant 13 : i32
      %mul3A_758 = arith.muli %add3A_626, %mul3A_757 : i32
      %add3A_759 = arith.constant 10 : i32
      %add3A_760 = arith.addi %mul3A_758, %add3A_759 : i32
      %mul3A_761 = arith.constant 128 : i32
      %mul3A_762 = arith.muli %add3A_760, %mul3A_761 : i32
      %dma_wait3A_763 = arith.constant 1280 : i32
      %dma_wait3A_764 = arith.constant 0 : i32
      %dma_wait3A_765 = tpu.memref_slice %arg7[%dma_wait3A_763, %dma_wait3A_764] : memref<1664x32xf32, #tpu.memory_space<vmem>> -> memref<128x32xf32, #tpu.memory_space<vmem>>
      %dma_wait3A_766 = tpu.memref_slice %arg5[%mul3A_762] : memref<13312xi32, #tpu.memory_space<vmem>> -> memref<128xi32, #tpu.memory_space<vmem>>
      %dma_wait3A_767 = arith.constant 0 : i32
      %dma_wait3A_768 = arith.constant 0 : i32
      %dma_wait3A_769 = tpu.memref_slice %arg3[%dma_wait3A_767, %dma_wait3A_768] : memref<1000000x32xf32, #tpu.memory_space<hbm>> -> memref<1000000x32xf32, #tpu.memory_space<hbm>>
      tpu.wait_indirect_dma semaphore(%arg9 : memref<!tpu.dma_semaphore, #tpu.memory_space<semaphore_mem>>) src(%dma_wait3A_769 : memref<1000000x32xf32, #tpu.memory_space<hbm>>) dst(%dma_wait3A_765 : memref<128x32xf32, #tpu.memory_space<vmem>>)
      %mul3A_770 = arith.constant 13 : i32
      %mul3A_771 = arith.muli %add3A_626, %mul3A_770 : i32
      %add3A_772 = arith.constant 11 : i32
      %add3A_773 = arith.addi %mul3A_771, %add3A_772 : i32
      %mul3A_774 = arith.constant 128 : i32
      %mul3A_775 = arith.muli %add3A_773, %mul3A_774 : i32
      %dma_wait3A_776 = arith.constant 1408 : i32
      %dma_wait3A_777 = arith.constant 0 : i32
      %dma_wait3A_778 = tpu.memref_slice %arg7[%dma_wait3A_776, %dma_wait3A_777] : memref<1664x32xf32, #tpu.memory_space<vmem>> -> memref<128x32xf32, #tpu.memory_space<vmem>>
      %dma_wait3A_779 = tpu.memref_slice %arg5[%mul3A_775] : memref<13312xi32, #tpu.memory_space<vmem>> -> memref<128xi32, #tpu.memory_space<vmem>>
      %dma_wait3A_780 = arith.constant 0 : i32
      %dma_wait3A_781 = arith.constant 0 : i32
      %dma_wait3A_782 = tpu.memref_slice %arg3[%dma_wait3A_780, %dma_wait3A_781] : memref<1000000x32xf32, #tpu.memory_space<hbm>> -> memref<1000000x32xf32, #tpu.memory_space<hbm>>
      tpu.wait_indirect_dma semaphore(%arg9 : memref<!tpu.dma_semaphore, #tpu.memory_space<semaphore_mem>>) src(%dma_wait3A_782 : memref<1000000x32xf32, #tpu.memory_space<hbm>>) dst(%dma_wait3A_778 : memref<128x32xf32, #tpu.memory_space<vmem>>)
      %mul3A_783 = arith.constant 13 : i32
      %mul3A_784 = arith.muli %add3A_626, %mul3A_783 : i32
      %add3A_785 = arith.constant 12 : i32
      %add3A_786 = arith.addi %mul3A_784, %add3A_785 : i32
      %mul3A_787 = arith.constant 128 : i32
      %mul3A_788 = arith.muli %add3A_786, %mul3A_787 : i32
      %dma_wait3A_789 = arith.constant 1536 : i32
      %dma_wait3A_790 = arith.constant 0 : i32
      %dma_wait3A_791 = tpu.memref_slice %arg7[%dma_wait3A_789, %dma_wait3A_790] : memref<1664x32xf32, #tpu.memory_space<vmem>> -> memref<128x32xf32, #tpu.memory_space<vmem>>
      %dma_wait3A_792 = tpu.memref_slice %arg5[%mul3A_788] : memref<13312xi32, #tpu.memory_space<vmem>> -> memref<128xi32, #tpu.memory_space<vmem>>
      %dma_wait3A_793 = arith.constant 0 : i32
      %dma_wait3A_794 = arith.constant 0 : i32
      %dma_wait3A_795 = tpu.memref_slice %arg3[%dma_wait3A_793, %dma_wait3A_794] : memref<1000000x32xf32, #tpu.memory_space<hbm>> -> memref<1000000x32xf32, #tpu.memory_space<hbm>>
      tpu.wait_indirect_dma semaphore(%arg9 : memref<!tpu.dma_semaphore, #tpu.memory_space<semaphore_mem>>) src(%dma_wait3A_795 : memref<1000000x32xf32, #tpu.memory_space<hbm>>) dst(%dma_wait3A_791 : memref<128x32xf32, #tpu.memory_space<vmem>>)
      %add3A_796 = arith.constant 1 : i32
      %add3A_797 = arith.addi %mul3A_448, %add3A_796 : i32
      %mul3A_798 = arith.constant 1664 : i32
      %mul3A_799 = arith.muli %add3A_797, %mul3A_798 : i32
      %add3A_800 = arith.addi %mul3A_2, %mul3A_799 : i32
      %dma_start3A_801 = arith.constant 0 : i32
      %dma_start3A_802 = tpu.memref_slice %arg4[%add3A_800, %dma_start3A_801] : memref<425984x32xf32, #tpu.memory_space<hbm>> -> memref<1664x32xf32, #tpu.memory_space<hbm>>
      %dma_start3A_803 = arith.constant 0 : i32
      %dma_start3A_804 = tpu.memref_slice %arg4[%add3A_800, %dma_start3A_803] : memref<425984x32xf32, #tpu.memory_space<hbm>> -> memref<1664x32xf32, #tpu.memory_space<hbm>>
      tpu.enqueue_dma source(%arg7 : memref<1664x32xf32, #tpu.memory_space<vmem>>) target(%dma_start3A_804 : memref<1664x32xf32, #tpu.memory_space<hbm>>) target_semaphore(%arg11 : memref<!tpu.dma_semaphore, #tpu.memory_space<semaphore_mem>>)
      %mul3A_805 = arith.constant 1664 : i32
      %mul3A_806 = arith.muli %mul3A_448, %mul3A_805 : i32
      %add3A_807 = arith.addi %mul3A_2, %mul3A_806 : i32
      %dma_wait3A_808 = arith.constant 0 : i32
      %dma_wait3A_809 = tpu.memref_slice %arg4[%add3A_807, %dma_wait3A_808] : memref<425984x32xf32, #tpu.memory_space<hbm>> -> memref<1664x32xf32, #tpu.memory_space<hbm>>
      %dma_wait3A_810 = arith.constant 0 : i32
      %dma_wait3A_811 = tpu.memref_slice %arg4[%add3A_807, %dma_wait3A_810] : memref<425984x32xf32, #tpu.memory_space<hbm>> -> memref<1664x32xf32, #tpu.memory_space<hbm>>
      tpu.wait_dma2 semaphore(%arg10 : memref<!tpu.dma_semaphore, #tpu.memory_space<semaphore_mem>>) src(%arg6 : memref<1664x32xf32, #tpu.memory_space<vmem>>) dst(%dma_wait3A_811 : memref<1664x32xf32, #tpu.memory_space<hbm>>)
      %add3A_812 = arith.constant 2 : i32
      %add3A_813 = arith.addi %mul3A_448, %add3A_812 : i32
      %mul3A_814 = arith.constant 13 : i32
      %mul3A_815 = arith.muli %add3A_813, %mul3A_814 : i32
      %add3A_816 = arith.constant 0 : i32
      %add3A_817 = arith.addi %mul3A_815, %add3A_816 : i32
      %mul3A_818 = arith.constant 128 : i32
      %mul3A_819 = arith.muli %add3A_817, %mul3A_818 : i32
      %dma_start3A_820 = arith.constant 0 : i32
      %dma_start3A_821 = arith.constant 0 : i32
      %dma_start3A_822 = tpu.memref_slice %arg6[%dma_start3A_820, %dma_start3A_821] : memref<1664x32xf32, #tpu.memory_space<vmem>> -> memref<128x32xf32, #tpu.memory_space<vmem>>
      %dma_start3A_823 = tpu.memref_slice %arg5[%mul3A_819] : memref<13312xi32, #tpu.memory_space<vmem>> -> memref<128xi32, #tpu.memory_space<vmem>>
      %dma_start3A_824 = arith.constant 0 : i32
      %dma_start3A_825 = arith.constant 0 : i32
      %dma_start3A_826 = tpu.memref_slice %arg3[%dma_start3A_824, %dma_start3A_825] : memref<1000000x32xf32, #tpu.memory_space<hbm>> -> memref<1000000x32xf32, #tpu.memory_space<hbm>>
      tpu.enqueue_indirect_dma source(%dma_start3A_826 : memref<1000000x32xf32, #tpu.memory_space<hbm>>) target(%dma_start3A_822 : memref<128x32xf32, #tpu.memory_space<vmem>>) offsets(%dma_start3A_823 : memref<128xi32, #tpu.memory_space<vmem>>) semaphore(%arg8 : memref<!tpu.dma_semaphore, #tpu.memory_space<semaphore_mem>>)
      %mul3A_827 = arith.constant 13 : i32
      %mul3A_828 = arith.muli %add3A_813, %mul3A_827 : i32
      %add3A_829 = arith.constant 1 : i32
      %add3A_830 = arith.addi %mul3A_828, %add3A_829 : i32
      %mul3A_831 = arith.constant 128 : i32
      %mul3A_832 = arith.muli %add3A_830, %mul3A_831 : i32
      %dma_start3A_833 = arith.constant 128 : i32
      %dma_start3A_834 = arith.constant 0 : i32
      %dma_start3A_835 = tpu.memref_slice %arg6[%dma_start3A_833, %dma_start3A_834] : memref<1664x32xf32, #tpu.memory_space<vmem>> -> memref<128x32xf32, #tpu.memory_space<vmem>>
      %dma_start3A_836 = tpu.memref_slice %arg5[%mul3A_832] : memref<13312xi32, #tpu.memory_space<vmem>> -> memref<128xi32, #tpu.memory_space<vmem>>
      %dma_start3A_837 = arith.constant 0 : i32
      %dma_start3A_838 = arith.constant 0 : i32
      %dma_start3A_839 = tpu.memref_slice %arg3[%dma_start3A_837, %dma_start3A_838] : memref<1000000x32xf32, #tpu.memory_space<hbm>> -> memref<1000000x32xf32, #tpu.memory_space<hbm>>
      tpu.enqueue_indirect_dma source(%dma_start3A_839 : memref<1000000x32xf32, #tpu.memory_space<hbm>>) target(%dma_start3A_835 : memref<128x32xf32, #tpu.memory_space<vmem>>) offsets(%dma_start3A_836 : memref<128xi32, #tpu.memory_space<vmem>>) semaphore(%arg8 : memref<!tpu.dma_semaphore, #tpu.memory_space<semaphore_mem>>)
      %mul3A_840 = arith.constant 13 : i32
      %mul3A_841 = arith.muli %add3A_813, %mul3A_840 : i32
      %add3A_842 = arith.constant 2 : i32
      %add3A_843 = arith.addi %mul3A_841, %add3A_842 : i32
      %mul3A_844 = arith.constant 128 : i32
      %mul3A_845 = arith.muli %add3A_843, %mul3A_844 : i32
      %dma_start3A_846 = arith.constant 256 : i32
      %dma_start3A_847 = arith.constant 0 : i32
      %dma_start3A_848 = tpu.memref_slice %arg6[%dma_start3A_846, %dma_start3A_847] : memref<1664x32xf32, #tpu.memory_space<vmem>> -> memref<128x32xf32, #tpu.memory_space<vmem>>
      %dma_start3A_849 = tpu.memref_slice %arg5[%mul3A_845] : memref<13312xi32, #tpu.memory_space<vmem>> -> memref<128xi32, #tpu.memory_space<vmem>>
      %dma_start3A_850 = arith.constant 0 : i32
      %dma_start3A_851 = arith.constant 0 : i32
      %dma_start3A_852 = tpu.memref_slice %arg3[%dma_start3A_850, %dma_start3A_851] : memref<1000000x32xf32, #tpu.memory_space<hbm>> -> memref<1000000x32xf32, #tpu.memory_space<hbm>>
      tpu.enqueue_indirect_dma source(%dma_start3A_852 : memref<1000000x32xf32, #tpu.memory_space<hbm>>) target(%dma_start3A_848 : memref<128x32xf32, #tpu.memory_space<vmem>>) offsets(%dma_start3A_849 : memref<128xi32, #tpu.memory_space<vmem>>) semaphore(%arg8 : memref<!tpu.dma_semaphore, #tpu.memory_space<semaphore_mem>>)
      %mul3A_853 = arith.constant 13 : i32
      %mul3A_854 = arith.muli %add3A_813, %mul3A_853 : i32
      %add3A_855 = arith.constant 3 : i32
      %add3A_856 = arith.addi %mul3A_854, %add3A_855 : i32
      %mul3A_857 = arith.constant 128 : i32
      %mul3A_858 = arith.muli %add3A_856, %mul3A_857 : i32
      %dma_start3A_859 = arith.constant 384 : i32
      %dma_start3A_860 = arith.constant 0 : i32
      %dma_start3A_861 = tpu.memref_slice %arg6[%dma_start3A_859, %dma_start3A_860] : memref<1664x32xf32, #tpu.memory_space<vmem>> -> memref<128x32xf32, #tpu.memory_space<vmem>>
      %dma_start3A_862 = tpu.memref_slice %arg5[%mul3A_858] : memref<13312xi32, #tpu.memory_space<vmem>> -> memref<128xi32, #tpu.memory_space<vmem>>
      %dma_start3A_863 = arith.constant 0 : i32
      %dma_start3A_864 = arith.constant 0 : i32
      %dma_start3A_865 = tpu.memref_slice %arg3[%dma_start3A_863, %dma_start3A_864] : memref<1000000x32xf32, #tpu.memory_space<hbm>> -> memref<1000000x32xf32, #tpu.memory_space<hbm>>
      tpu.enqueue_indirect_dma source(%dma_start3A_865 : memref<1000000x32xf32, #tpu.memory_space<hbm>>) target(%dma_start3A_861 : memref<128x32xf32, #tpu.memory_space<vmem>>) offsets(%dma_start3A_862 : memref<128xi32, #tpu.memory_space<vmem>>) semaphore(%arg8 : memref<!tpu.dma_semaphore, #tpu.memory_space<semaphore_mem>>)
      %mul3A_866 = arith.constant 13 : i32
      %mul3A_867 = arith.muli %add3A_813, %mul3A_866 : i32
      %add3A_868 = arith.constant 4 : i32
      %add3A_869 = arith.addi %mul3A_867, %add3A_868 : i32
      %mul3A_870 = arith.constant 128 : i32
      %mul3A_871 = arith.muli %add3A_869, %mul3A_870 : i32
      %dma_start3A_872 = arith.constant 512 : i32
      %dma_start3A_873 = arith.constant 0 : i32
      %dma_start3A_874 = tpu.memref_slice %arg6[%dma_start3A_872, %dma_start3A_873] : memref<1664x32xf32, #tpu.memory_space<vmem>> -> memref<128x32xf32, #tpu.memory_space<vmem>>
      %dma_start3A_875 = tpu.memref_slice %arg5[%mul3A_871] : memref<13312xi32, #tpu.memory_space<vmem>> -> memref<128xi32, #tpu.memory_space<vmem>>
      %dma_start3A_876 = arith.constant 0 : i32
      %dma_start3A_877 = arith.constant 0 : i32
      %dma_start3A_878 = tpu.memref_slice %arg3[%dma_start3A_876, %dma_start3A_877] : memref<1000000x32xf32, #tpu.memory_space<hbm>> -> memref<1000000x32xf32, #tpu.memory_space<hbm>>
      tpu.enqueue_indirect_dma source(%dma_start3A_878 : memref<1000000x32xf32, #tpu.memory_space<hbm>>) target(%dma_start3A_874 : memref<128x32xf32, #tpu.memory_space<vmem>>) offsets(%dma_start3A_875 : memref<128xi32, #tpu.memory_space<vmem>>) semaphore(%arg8 : memref<!tpu.dma_semaphore, #tpu.memory_space<semaphore_mem>>)
      %mul3A_879 = arith.constant 13 : i32
      %mul3A_880 = arith.muli %add3A_813, %mul3A_879 : i32
      %add3A_881 = arith.constant 5 : i32
      %add3A_882 = arith.addi %mul3A_880, %add3A_881 : i32
      %mul3A_883 = arith.constant 128 : i32
      %mul3A_884 = arith.muli %add3A_882, %mul3A_883 : i32
      %dma_start3A_885 = arith.constant 640 : i32
      %dma_start3A_886 = arith.constant 0 : i32
      %dma_start3A_887 = tpu.memref_slice %arg6[%dma_start3A_885, %dma_start3A_886] : memref<1664x32xf32, #tpu.memory_space<vmem>> -> memref<128x32xf32, #tpu.memory_space<vmem>>
      %dma_start3A_888 = tpu.memref_slice %arg5[%mul3A_884] : memref<13312xi32, #tpu.memory_space<vmem>> -> memref<128xi32, #tpu.memory_space<vmem>>
      %dma_start3A_889 = arith.constant 0 : i32
      %dma_start3A_890 = arith.constant 0 : i32
      %dma_start3A_891 = tpu.memref_slice %arg3[%dma_start3A_889, %dma_start3A_890] : memref<1000000x32xf32, #tpu.memory_space<hbm>> -> memref<1000000x32xf32, #tpu.memory_space<hbm>>
      tpu.enqueue_indirect_dma source(%dma_start3A_891 : memref<1000000x32xf32, #tpu.memory_space<hbm>>) target(%dma_start3A_887 : memref<128x32xf32, #tpu.memory_space<vmem>>) offsets(%dma_start3A_888 : memref<128xi32, #tpu.memory_space<vmem>>) semaphore(%arg8 : memref<!tpu.dma_semaphore, #tpu.memory_space<semaphore_mem>>)
      %mul3A_892 = arith.constant 13 : i32
      %mul3A_893 = arith.muli %add3A_813, %mul3A_892 : i32
      %add3A_894 = arith.constant 6 : i32
      %add3A_895 = arith.addi %mul3A_893, %add3A_894 : i32
      %mul3A_896 = arith.constant 128 : i32
      %mul3A_897 = arith.muli %add3A_895, %mul3A_896 : i32
      %dma_start3A_898 = arith.constant 768 : i32
      %dma_start3A_899 = arith.constant 0 : i32
      %dma_start3A_900 = tpu.memref_slice %arg6[%dma_start3A_898, %dma_start3A_899] : memref<1664x32xf32, #tpu.memory_space<vmem>> -> memref<128x32xf32, #tpu.memory_space<vmem>>
      %dma_start3A_901 = tpu.memref_slice %arg5[%mul3A_897] : memref<13312xi32, #tpu.memory_space<vmem>> -> memref<128xi32, #tpu.memory_space<vmem>>
      %dma_start3A_902 = arith.constant 0 : i32
      %dma_start3A_903 = arith.constant 0 : i32
      %dma_start3A_904 = tpu.memref_slice %arg3[%dma_start3A_902, %dma_start3A_903] : memref<1000000x32xf32, #tpu.memory_space<hbm>> -> memref<1000000x32xf32, #tpu.memory_space<hbm>>
      tpu.enqueue_indirect_dma source(%dma_start3A_904 : memref<1000000x32xf32, #tpu.memory_space<hbm>>) target(%dma_start3A_900 : memref<128x32xf32, #tpu.memory_space<vmem>>) offsets(%dma_start3A_901 : memref<128xi32, #tpu.memory_space<vmem>>) semaphore(%arg8 : memref<!tpu.dma_semaphore, #tpu.memory_space<semaphore_mem>>)
      %mul3A_905 = arith.constant 13 : i32
      %mul3A_906 = arith.muli %add3A_813, %mul3A_905 : i32
      %add3A_907 = arith.constant 7 : i32
      %add3A_908 = arith.addi %mul3A_906, %add3A_907 : i32
      %mul3A_909 = arith.constant 128 : i32
      %mul3A_910 = arith.muli %add3A_908, %mul3A_909 : i32
      %dma_start3A_911 = arith.constant 896 : i32
      %dma_start3A_912 = arith.constant 0 : i32
      %dma_start3A_913 = tpu.memref_slice %arg6[%dma_start3A_911, %dma_start3A_912] : memref<1664x32xf32, #tpu.memory_space<vmem>> -> memref<128x32xf32, #tpu.memory_space<vmem>>
      %dma_start3A_914 = tpu.memref_slice %arg5[%mul3A_910] : memref<13312xi32, #tpu.memory_space<vmem>> -> memref<128xi32, #tpu.memory_space<vmem>>
      %dma_start3A_915 = arith.constant 0 : i32
      %dma_start3A_916 = arith.constant 0 : i32
      %dma_start3A_917 = tpu.memref_slice %arg3[%dma_start3A_915, %dma_start3A_916] : memref<1000000x32xf32, #tpu.memory_space<hbm>> -> memref<1000000x32xf32, #tpu.memory_space<hbm>>
      tpu.enqueue_indirect_dma source(%dma_start3A_917 : memref<1000000x32xf32, #tpu.memory_space<hbm>>) target(%dma_start3A_913 : memref<128x32xf32, #tpu.memory_space<vmem>>) offsets(%dma_start3A_914 : memref<128xi32, #tpu.memory_space<vmem>>) semaphore(%arg8 : memref<!tpu.dma_semaphore, #tpu.memory_space<semaphore_mem>>)
      %mul3A_918 = arith.constant 13 : i32
      %mul3A_919 = arith.muli %add3A_813, %mul3A_918 : i32
      %add3A_920 = arith.constant 8 : i32
      %add3A_921 = arith.addi %mul3A_919, %add3A_920 : i32
      %mul3A_922 = arith.constant 128 : i32
      %mul3A_923 = arith.muli %add3A_921, %mul3A_922 : i32
      %dma_start3A_924 = arith.constant 1024 : i32
      %dma_start3A_925 = arith.constant 0 : i32
      %dma_start3A_926 = tpu.memref_slice %arg6[%dma_start3A_924, %dma_start3A_925] : memref<1664x32xf32, #tpu.memory_space<vmem>> -> memref<128x32xf32, #tpu.memory_space<vmem>>
      %dma_start3A_927 = tpu.memref_slice %arg5[%mul3A_923] : memref<13312xi32, #tpu.memory_space<vmem>> -> memref<128xi32, #tpu.memory_space<vmem>>
      %dma_start3A_928 = arith.constant 0 : i32
      %dma_start3A_929 = arith.constant 0 : i32
      %dma_start3A_930 = tpu.memref_slice %arg3[%dma_start3A_928, %dma_start3A_929] : memref<1000000x32xf32, #tpu.memory_space<hbm>> -> memref<1000000x32xf32, #tpu.memory_space<hbm>>
      tpu.enqueue_indirect_dma source(%dma_start3A_930 : memref<1000000x32xf32, #tpu.memory_space<hbm>>) target(%dma_start3A_926 : memref<128x32xf32, #tpu.memory_space<vmem>>) offsets(%dma_start3A_927 : memref<128xi32, #tpu.memory_space<vmem>>) semaphore(%arg8 : memref<!tpu.dma_semaphore, #tpu.memory_space<semaphore_mem>>)
      %mul3A_931 = arith.constant 13 : i32
      %mul3A_932 = arith.muli %add3A_813, %mul3A_931 : i32
      %add3A_933 = arith.constant 9 : i32
      %add3A_934 = arith.addi %mul3A_932, %add3A_933 : i32
      %mul3A_935 = arith.constant 128 : i32
      %mul3A_936 = arith.muli %add3A_934, %mul3A_935 : i32
      %dma_start3A_937 = arith.constant 1152 : i32
      %dma_start3A_938 = arith.constant 0 : i32
      %dma_start3A_939 = tpu.memref_slice %arg6[%dma_start3A_937, %dma_start3A_938] : memref<1664x32xf32, #tpu.memory_space<vmem>> -> memref<128x32xf32, #tpu.memory_space<vmem>>
      %dma_start3A_940 = tpu.memref_slice %arg5[%mul3A_936] : memref<13312xi32, #tpu.memory_space<vmem>> -> memref<128xi32, #tpu.memory_space<vmem>>
      %dma_start3A_941 = arith.constant 0 : i32
      %dma_start3A_942 = arith.constant 0 : i32
      %dma_start3A_943 = tpu.memref_slice %arg3[%dma_start3A_941, %dma_start3A_942] : memref<1000000x32xf32, #tpu.memory_space<hbm>> -> memref<1000000x32xf32, #tpu.memory_space<hbm>>
      tpu.enqueue_indirect_dma source(%dma_start3A_943 : memref<1000000x32xf32, #tpu.memory_space<hbm>>) target(%dma_start3A_939 : memref<128x32xf32, #tpu.memory_space<vmem>>) offsets(%dma_start3A_940 : memref<128xi32, #tpu.memory_space<vmem>>) semaphore(%arg8 : memref<!tpu.dma_semaphore, #tpu.memory_space<semaphore_mem>>)
      %mul3A_944 = arith.constant 13 : i32
      %mul3A_945 = arith.muli %add3A_813, %mul3A_944 : i32
      %add3A_946 = arith.constant 10 : i32
      %add3A_947 = arith.addi %mul3A_945, %add3A_946 : i32
      %mul3A_948 = arith.constant 128 : i32
      %mul3A_949 = arith.muli %add3A_947, %mul3A_948 : i32
      %dma_start3A_950 = arith.constant 1280 : i32
      %dma_start3A_951 = arith.constant 0 : i32
      %dma_start3A_952 = tpu.memref_slice %arg6[%dma_start3A_950, %dma_start3A_951] : memref<1664x32xf32, #tpu.memory_space<vmem>> -> memref<128x32xf32, #tpu.memory_space<vmem>>
      %dma_start3A_953 = tpu.memref_slice %arg5[%mul3A_949] : memref<13312xi32, #tpu.memory_space<vmem>> -> memref<128xi32, #tpu.memory_space<vmem>>
      %dma_start3A_954 = arith.constant 0 : i32
      %dma_start3A_955 = arith.constant 0 : i32
      %dma_start3A_956 = tpu.memref_slice %arg3[%dma_start3A_954, %dma_start3A_955] : memref<1000000x32xf32, #tpu.memory_space<hbm>> -> memref<1000000x32xf32, #tpu.memory_space<hbm>>
      tpu.enqueue_indirect_dma source(%dma_start3A_956 : memref<1000000x32xf32, #tpu.memory_space<hbm>>) target(%dma_start3A_952 : memref<128x32xf32, #tpu.memory_space<vmem>>) offsets(%dma_start3A_953 : memref<128xi32, #tpu.memory_space<vmem>>) semaphore(%arg8 : memref<!tpu.dma_semaphore, #tpu.memory_space<semaphore_mem>>)
      %mul3A_957 = arith.constant 13 : i32
      %mul3A_958 = arith.muli %add3A_813, %mul3A_957 : i32
      %add3A_959 = arith.constant 11 : i32
      %add3A_960 = arith.addi %mul3A_958, %add3A_959 : i32
      %mul3A_961 = arith.constant 128 : i32
      %mul3A_962 = arith.muli %add3A_960, %mul3A_961 : i32
      %dma_start3A_963 = arith.constant 1408 : i32
      %dma_start3A_964 = arith.constant 0 : i32
      %dma_start3A_965 = tpu.memref_slice %arg6[%dma_start3A_963, %dma_start3A_964] : memref<1664x32xf32, #tpu.memory_space<vmem>> -> memref<128x32xf32, #tpu.memory_space<vmem>>
      %dma_start3A_966 = tpu.memref_slice %arg5[%mul3A_962] : memref<13312xi32, #tpu.memory_space<vmem>> -> memref<128xi32, #tpu.memory_space<vmem>>
      %dma_start3A_967 = arith.constant 0 : i32
      %dma_start3A_968 = arith.constant 0 : i32
      %dma_start3A_969 = tpu.memref_slice %arg3[%dma_start3A_967, %dma_start3A_968] : memref<1000000x32xf32, #tpu.memory_space<hbm>> -> memref<1000000x32xf32, #tpu.memory_space<hbm>>
      tpu.enqueue_indirect_dma source(%dma_start3A_969 : memref<1000000x32xf32, #tpu.memory_space<hbm>>) target(%dma_start3A_965 : memref<128x32xf32, #tpu.memory_space<vmem>>) offsets(%dma_start3A_966 : memref<128xi32, #tpu.memory_space<vmem>>) semaphore(%arg8 : memref<!tpu.dma_semaphore, #tpu.memory_space<semaphore_mem>>)
      %mul3A_970 = arith.constant 13 : i32
      %mul3A_971 = arith.muli %add3A_813, %mul3A_970 : i32
      %add3A_972 = arith.constant 12 : i32
      %add3A_973 = arith.addi %mul3A_971, %add3A_972 : i32
      %mul3A_974 = arith.constant 128 : i32
      %mul3A_975 = arith.muli %add3A_973, %mul3A_974 : i32
      %dma_start3A_976 = arith.constant 1536 : i32
      %dma_start3A_977 = arith.constant 0 : i32
      %dma_start3A_978 = tpu.memref_slice %arg6[%dma_start3A_976, %dma_start3A_977] : memref<1664x32xf32, #tpu.memory_space<vmem>> -> memref<128x32xf32, #tpu.memory_space<vmem>>
      %dma_start3A_979 = tpu.memref_slice %arg5[%mul3A_975] : memref<13312xi32, #tpu.memory_space<vmem>> -> memref<128xi32, #tpu.memory_space<vmem>>
      %dma_start3A_980 = arith.constant 0 : i32
      %dma_start3A_981 = arith.constant 0 : i32
      %dma_start3A_982 = tpu.memref_slice %arg3[%dma_start3A_980, %dma_start3A_981] : memref<1000000x32xf32, #tpu.memory_space<hbm>> -> memref<1000000x32xf32, #tpu.memory_space<hbm>>
      tpu.enqueue_indirect_dma source(%dma_start3A_982 : memref<1000000x32xf32, #tpu.memory_space<hbm>>) target(%dma_start3A_978 : memref<128x32xf32, #tpu.memory_space<vmem>>) offsets(%dma_start3A_979 : memref<128xi32, #tpu.memory_space<vmem>>) semaphore(%arg8 : memref<!tpu.dma_semaphore, #tpu.memory_space<semaphore_mem>>)
      %add3A_983 = arith.constant 1 : i32
      %add3A_984 = arith.addi %mul3A_448, %add3A_983 : i32
      %mul3A_985 = arith.constant 1664 : i32
      %mul3A_986 = arith.muli %add3A_984, %mul3A_985 : i32
      %add3A_987 = arith.addi %mul3A_2, %mul3A_986 : i32
      %dma_wait3A_988 = arith.constant 0 : i32
      %dma_wait3A_989 = tpu.memref_slice %arg4[%add3A_987, %dma_wait3A_988] : memref<425984x32xf32, #tpu.memory_space<hbm>> -> memref<1664x32xf32, #tpu.memory_space<hbm>>
      %dma_wait3A_990 = arith.constant 0 : i32
      %dma_wait3A_991 = tpu.memref_slice %arg4[%add3A_987, %dma_wait3A_990] : memref<425984x32xf32, #tpu.memory_space<hbm>> -> memref<1664x32xf32, #tpu.memory_space<hbm>>
      tpu.wait_dma2 semaphore(%arg11 : memref<!tpu.dma_semaphore, #tpu.memory_space<semaphore_mem>>) src(%arg7 : memref<1664x32xf32, #tpu.memory_space<vmem>>) dst(%dma_wait3A_991 : memref<1664x32xf32, #tpu.memory_space<hbm>>)
      %add3A_992 = arith.constant 3 : i32
      %add3A_993 = arith.addi %mul3A_448, %add3A_992 : i32
      %mul3A_994 = arith.constant 13 : i32
      %mul3A_995 = arith.muli %add3A_993, %mul3A_994 : i32
      %add3A_996 = arith.constant 0 : i32
      %add3A_997 = arith.addi %mul3A_995, %add3A_996 : i32
      %mul3A_998 = arith.constant 128 : i32
      %mul3A_999 = arith.muli %add3A_997, %mul3A_998 : i32
      %dma_start3A_1000 = arith.constant 0 : i32
      %dma_start3A_1001 = arith.constant 0 : i32
      %dma_start3A_1002 = tpu.memref_slice %arg7[%dma_start3A_1000, %dma_start3A_1001] : memref<1664x32xf32, #tpu.memory_space<vmem>> -> memref<128x32xf32, #tpu.memory_space<vmem>>
      %dma_start3A_1003 = tpu.memref_slice %arg5[%mul3A_999] : memref<13312xi32, #tpu.memory_space<vmem>> -> memref<128xi32, #tpu.memory_space<vmem>>
      %dma_start3A_1004 = arith.constant 0 : i32
      %dma_start3A_1005 = arith.constant 0 : i32
      %dma_start3A_1006 = tpu.memref_slice %arg3[%dma_start3A_1004, %dma_start3A_1005] : memref<1000000x32xf32, #tpu.memory_space<hbm>> -> memref<1000000x32xf32, #tpu.memory_space<hbm>>
      tpu.enqueue_indirect_dma source(%dma_start3A_1006 : memref<1000000x32xf32, #tpu.memory_space<hbm>>) target(%dma_start3A_1002 : memref<128x32xf32, #tpu.memory_space<vmem>>) offsets(%dma_start3A_1003 : memref<128xi32, #tpu.memory_space<vmem>>) semaphore(%arg9 : memref<!tpu.dma_semaphore, #tpu.memory_space<semaphore_mem>>)
      %mul3A_1007 = arith.constant 13 : i32
      %mul3A_1008 = arith.muli %add3A_993, %mul3A_1007 : i32
      %add3A_1009 = arith.constant 1 : i32
      %add3A_1010 = arith.addi %mul3A_1008, %add3A_1009 : i32
      %mul3A_1011 = arith.constant 128 : i32
      %mul3A_1012 = arith.muli %add3A_1010, %mul3A_1011 : i32
      %dma_start3A_1013 = arith.constant 128 : i32
      %dma_start3A_1014 = arith.constant 0 : i32
      %dma_start3A_1015 = tpu.memref_slice %arg7[%dma_start3A_1013, %dma_start3A_1014] : memref<1664x32xf32, #tpu.memory_space<vmem>> -> memref<128x32xf32, #tpu.memory_space<vmem>>
      %dma_start3A_1016 = tpu.memref_slice %arg5[%mul3A_1012] : memref<13312xi32, #tpu.memory_space<vmem>> -> memref<128xi32, #tpu.memory_space<vmem>>
      %dma_start3A_1017 = arith.constant 0 : i32
      %dma_start3A_1018 = arith.constant 0 : i32
      %dma_start3A_1019 = tpu.memref_slice %arg3[%dma_start3A_1017, %dma_start3A_1018] : memref<1000000x32xf32, #tpu.memory_space<hbm>> -> memref<1000000x32xf32, #tpu.memory_space<hbm>>
      tpu.enqueue_indirect_dma source(%dma_start3A_1019 : memref<1000000x32xf32, #tpu.memory_space<hbm>>) target(%dma_start3A_1015 : memref<128x32xf32, #tpu.memory_space<vmem>>) offsets(%dma_start3A_1016 : memref<128xi32, #tpu.memory_space<vmem>>) semaphore(%arg9 : memref<!tpu.dma_semaphore, #tpu.memory_space<semaphore_mem>>)
      %mul3A_1020 = arith.constant 13 : i32
      %mul3A_1021 = arith.muli %add3A_993, %mul3A_1020 : i32
      %add3A_1022 = arith.constant 2 : i32
      %add3A_1023 = arith.addi %mul3A_1021, %add3A_1022 : i32
      %mul3A_1024 = arith.constant 128 : i32
      %mul3A_1025 = arith.muli %add3A_1023, %mul3A_1024 : i32
      %dma_start3A_1026 = arith.constant 256 : i32
      %dma_start3A_1027 = arith.constant 0 : i32
      %dma_start3A_1028 = tpu.memref_slice %arg7[%dma_start3A_1026, %dma_start3A_1027] : memref<1664x32xf32, #tpu.memory_space<vmem>> -> memref<128x32xf32, #tpu.memory_space<vmem>>
      %dma_start3A_1029 = tpu.memref_slice %arg5[%mul3A_1025] : memref<13312xi32, #tpu.memory_space<vmem>> -> memref<128xi32, #tpu.memory_space<vmem>>
      %dma_start3A_1030 = arith.constant 0 : i32
      %dma_start3A_1031 = arith.constant 0 : i32
      %dma_start3A_1032 = tpu.memref_slice %arg3[%dma_start3A_1030, %dma_start3A_1031] : memref<1000000x32xf32, #tpu.memory_space<hbm>> -> memref<1000000x32xf32, #tpu.memory_space<hbm>>
      tpu.enqueue_indirect_dma source(%dma_start3A_1032 : memref<1000000x32xf32, #tpu.memory_space<hbm>>) target(%dma_start3A_1028 : memref<128x32xf32, #tpu.memory_space<vmem>>) offsets(%dma_start3A_1029 : memref<128xi32, #tpu.memory_space<vmem>>) semaphore(%arg9 : memref<!tpu.dma_semaphore, #tpu.memory_space<semaphore_mem>>)
      %mul3A_1033 = arith.constant 13 : i32
      %mul3A_1034 = arith.muli %add3A_993, %mul3A_1033 : i32
      %add3A_1035 = arith.constant 3 : i32
      %add3A_1036 = arith.addi %mul3A_1034, %add3A_1035 : i32
      %mul3A_1037 = arith.constant 128 : i32
      %mul3A_1038 = arith.muli %add3A_1036, %mul3A_1037 : i32
      %dma_start3A_1039 = arith.constant 384 : i32
      %dma_start3A_1040 = arith.constant 0 : i32
      %dma_start3A_1041 = tpu.memref_slice %arg7[%dma_start3A_1039, %dma_start3A_1040] : memref<1664x32xf32, #tpu.memory_space<vmem>> -> memref<128x32xf32, #tpu.memory_space<vmem>>
      %dma_start3A_1042 = tpu.memref_slice %arg5[%mul3A_1038] : memref<13312xi32, #tpu.memory_space<vmem>> -> memref<128xi32, #tpu.memory_space<vmem>>
      %dma_start3A_1043 = arith.constant 0 : i32
      %dma_start3A_1044 = arith.constant 0 : i32
      %dma_start3A_1045 = tpu.memref_slice %arg3[%dma_start3A_1043, %dma_start3A_1044] : memref<1000000x32xf32, #tpu.memory_space<hbm>> -> memref<1000000x32xf32, #tpu.memory_space<hbm>>
      tpu.enqueue_indirect_dma source(%dma_start3A_1045 : memref<1000000x32xf32, #tpu.memory_space<hbm>>) target(%dma_start3A_1041 : memref<128x32xf32, #tpu.memory_space<vmem>>) offsets(%dma_start3A_1042 : memref<128xi32, #tpu.memory_space<vmem>>) semaphore(%arg9 : memref<!tpu.dma_semaphore, #tpu.memory_space<semaphore_mem>>)
      %mul3A_1046 = arith.constant 13 : i32
      %mul3A_1047 = arith.muli %add3A_993, %mul3A_1046 : i32
      %add3A_1048 = arith.constant 4 : i32
      %add3A_1049 = arith.addi %mul3A_1047, %add3A_1048 : i32
      %mul3A_1050 = arith.constant 128 : i32
      %mul3A_1051 = arith.muli %add3A_1049, %mul3A_1050 : i32
      %dma_start3A_1052 = arith.constant 512 : i32
      %dma_start3A_1053 = arith.constant 0 : i32
      %dma_start3A_1054 = tpu.memref_slice %arg7[%dma_start3A_1052, %dma_start3A_1053] : memref<1664x32xf32, #tpu.memory_space<vmem>> -> memref<128x32xf32, #tpu.memory_space<vmem>>
      %dma_start3A_1055 = tpu.memref_slice %arg5[%mul3A_1051] : memref<13312xi32, #tpu.memory_space<vmem>> -> memref<128xi32, #tpu.memory_space<vmem>>
      %dma_start3A_1056 = arith.constant 0 : i32
      %dma_start3A_1057 = arith.constant 0 : i32
      %dma_start3A_1058 = tpu.memref_slice %arg3[%dma_start3A_1056, %dma_start3A_1057] : memref<1000000x32xf32, #tpu.memory_space<hbm>> -> memref<1000000x32xf32, #tpu.memory_space<hbm>>
      tpu.enqueue_indirect_dma source(%dma_start3A_1058 : memref<1000000x32xf32, #tpu.memory_space<hbm>>) target(%dma_start3A_1054 : memref<128x32xf32, #tpu.memory_space<vmem>>) offsets(%dma_start3A_1055 : memref<128xi32, #tpu.memory_space<vmem>>) semaphore(%arg9 : memref<!tpu.dma_semaphore, #tpu.memory_space<semaphore_mem>>)
      %mul3A_1059 = arith.constant 13 : i32
      %mul3A_1060 = arith.muli %add3A_993, %mul3A_1059 : i32
      %add3A_1061 = arith.constant 5 : i32
      %add3A_1062 = arith.addi %mul3A_1060, %add3A_1061 : i32
      %mul3A_1063 = arith.constant 128 : i32
      %mul3A_1064 = arith.muli %add3A_1062, %mul3A_1063 : i32
      %dma_start3A_1065 = arith.constant 640 : i32
      %dma_start3A_1066 = arith.constant 0 : i32
      %dma_start3A_1067 = tpu.memref_slice %arg7[%dma_start3A_1065, %dma_start3A_1066] : memref<1664x32xf32, #tpu.memory_space<vmem>> -> memref<128x32xf32, #tpu.memory_space<vmem>>
      %dma_start3A_1068 = tpu.memref_slice %arg5[%mul3A_1064] : memref<13312xi32, #tpu.memory_space<vmem>> -> memref<128xi32, #tpu.memory_space<vmem>>
      %dma_start3A_1069 = arith.constant 0 : i32
      %dma_start3A_1070 = arith.constant 0 : i32
      %dma_start3A_1071 = tpu.memref_slice %arg3[%dma_start3A_1069, %dma_start3A_1070] : memref<1000000x32xf32, #tpu.memory_space<hbm>> -> memref<1000000x32xf32, #tpu.memory_space<hbm>>
      tpu.enqueue_indirect_dma source(%dma_start3A_1071 : memref<1000000x32xf32, #tpu.memory_space<hbm>>) target(%dma_start3A_1067 : memref<128x32xf32, #tpu.memory_space<vmem>>) offsets(%dma_start3A_1068 : memref<128xi32, #tpu.memory_space<vmem>>) semaphore(%arg9 : memref<!tpu.dma_semaphore, #tpu.memory_space<semaphore_mem>>)
      %mul3A_1072 = arith.constant 13 : i32
      %mul3A_1073 = arith.muli %add3A_993, %mul3A_1072 : i32
      %add3A_1074 = arith.constant 6 : i32
      %add3A_1075 = arith.addi %mul3A_1073, %add3A_1074 : i32
      %mul3A_1076 = arith.constant 128 : i32
      %mul3A_1077 = arith.muli %add3A_1075, %mul3A_1076 : i32
      %dma_start3A_1078 = arith.constant 768 : i32
      %dma_start3A_1079 = arith.constant 0 : i32
      %dma_start3A_1080 = tpu.memref_slice %arg7[%dma_start3A_1078, %dma_start3A_1079] : memref<1664x32xf32, #tpu.memory_space<vmem>> -> memref<128x32xf32, #tpu.memory_space<vmem>>
      %dma_start3A_1081 = tpu.memref_slice %arg5[%mul3A_1077] : memref<13312xi32, #tpu.memory_space<vmem>> -> memref<128xi32, #tpu.memory_space<vmem>>
      %dma_start3A_1082 = arith.constant 0 : i32
      %dma_start3A_1083 = arith.constant 0 : i32
      %dma_start3A_1084 = tpu.memref_slice %arg3[%dma_start3A_1082, %dma_start3A_1083] : memref<1000000x32xf32, #tpu.memory_space<hbm>> -> memref<1000000x32xf32, #tpu.memory_space<hbm>>
      tpu.enqueue_indirect_dma source(%dma_start3A_1084 : memref<1000000x32xf32, #tpu.memory_space<hbm>>) target(%dma_start3A_1080 : memref<128x32xf32, #tpu.memory_space<vmem>>) offsets(%dma_start3A_1081 : memref<128xi32, #tpu.memory_space<vmem>>) semaphore(%arg9 : memref<!tpu.dma_semaphore, #tpu.memory_space<semaphore_mem>>)
      %mul3A_1085 = arith.constant 13 : i32
      %mul3A_1086 = arith.muli %add3A_993, %mul3A_1085 : i32
      %add3A_1087 = arith.constant 7 : i32
      %add3A_1088 = arith.addi %mul3A_1086, %add3A_1087 : i32
      %mul3A_1089 = arith.constant 128 : i32
      %mul3A_1090 = arith.muli %add3A_1088, %mul3A_1089 : i32
      %dma_start3A_1091 = arith.constant 896 : i32
      %dma_start3A_1092 = arith.constant 0 : i32
      %dma_start3A_1093 = tpu.memref_slice %arg7[%dma_start3A_1091, %dma_start3A_1092] : memref<1664x32xf32, #tpu.memory_space<vmem>> -> memref<128x32xf32, #tpu.memory_space<vmem>>
      %dma_start3A_1094 = tpu.memref_slice %arg5[%mul3A_1090] : memref<13312xi32, #tpu.memory_space<vmem>> -> memref<128xi32, #tpu.memory_space<vmem>>
      %dma_start3A_1095 = arith.constant 0 : i32
      %dma_start3A_1096 = arith.constant 0 : i32
      %dma_start3A_1097 = tpu.memref_slice %arg3[%dma_start3A_1095, %dma_start3A_1096] : memref<1000000x32xf32, #tpu.memory_space<hbm>> -> memref<1000000x32xf32, #tpu.memory_space<hbm>>
      tpu.enqueue_indirect_dma source(%dma_start3A_1097 : memref<1000000x32xf32, #tpu.memory_space<hbm>>) target(%dma_start3A_1093 : memref<128x32xf32, #tpu.memory_space<vmem>>) offsets(%dma_start3A_1094 : memref<128xi32, #tpu.memory_space<vmem>>) semaphore(%arg9 : memref<!tpu.dma_semaphore, #tpu.memory_space<semaphore_mem>>)
      %mul3A_1098 = arith.constant 13 : i32
      %mul3A_1099 = arith.muli %add3A_993, %mul3A_1098 : i32
      %add3A_1100 = arith.constant 8 : i32
      %add3A_1101 = arith.addi %mul3A_1099, %add3A_1100 : i32
      %mul3A_1102 = arith.constant 128 : i32
      %mul3A_1103 = arith.muli %add3A_1101, %mul3A_1102 : i32
      %dma_start3A_1104 = arith.constant 1024 : i32
      %dma_start3A_1105 = arith.constant 0 : i32
      %dma_start3A_1106 = tpu.memref_slice %arg7[%dma_start3A_1104, %dma_start3A_1105] : memref<1664x32xf32, #tpu.memory_space<vmem>> -> memref<128x32xf32, #tpu.memory_space<vmem>>
      %dma_start3A_1107 = tpu.memref_slice %arg5[%mul3A_1103] : memref<13312xi32, #tpu.memory_space<vmem>> -> memref<128xi32, #tpu.memory_space<vmem>>
      %dma_start3A_1108 = arith.constant 0 : i32
      %dma_start3A_1109 = arith.constant 0 : i32
      %dma_start3A_1110 = tpu.memref_slice %arg3[%dma_start3A_1108, %dma_start3A_1109] : memref<1000000x32xf32, #tpu.memory_space<hbm>> -> memref<1000000x32xf32, #tpu.memory_space<hbm>>
      tpu.enqueue_indirect_dma source(%dma_start3A_1110 : memref<1000000x32xf32, #tpu.memory_space<hbm>>) target(%dma_start3A_1106 : memref<128x32xf32, #tpu.memory_space<vmem>>) offsets(%dma_start3A_1107 : memref<128xi32, #tpu.memory_space<vmem>>) semaphore(%arg9 : memref<!tpu.dma_semaphore, #tpu.memory_space<semaphore_mem>>)
      %mul3A_1111 = arith.constant 13 : i32
      %mul3A_1112 = arith.muli %add3A_993, %mul3A_1111 : i32
      %add3A_1113 = arith.constant 9 : i32
      %add3A_1114 = arith.addi %mul3A_1112, %add3A_1113 : i32
      %mul3A_1115 = arith.constant 128 : i32
      %mul3A_1116 = arith.muli %add3A_1114, %mul3A_1115 : i32
      %dma_start3A_1117 = arith.constant 1152 : i32
      %dma_start3A_1118 = arith.constant 0 : i32
      %dma_start3A_1119 = tpu.memref_slice %arg7[%dma_start3A_1117, %dma_start3A_1118] : memref<1664x32xf32, #tpu.memory_space<vmem>> -> memref<128x32xf32, #tpu.memory_space<vmem>>
      %dma_start3A_1120 = tpu.memref_slice %arg5[%mul3A_1116] : memref<13312xi32, #tpu.memory_space<vmem>> -> memref<128xi32, #tpu.memory_space<vmem>>
      %dma_start3A_1121 = arith.constant 0 : i32
      %dma_start3A_1122 = arith.constant 0 : i32
      %dma_start3A_1123 = tpu.memref_slice %arg3[%dma_start3A_1121, %dma_start3A_1122] : memref<1000000x32xf32, #tpu.memory_space<hbm>> -> memref<1000000x32xf32, #tpu.memory_space<hbm>>
      tpu.enqueue_indirect_dma source(%dma_start3A_1123 : memref<1000000x32xf32, #tpu.memory_space<hbm>>) target(%dma_start3A_1119 : memref<128x32xf32, #tpu.memory_space<vmem>>) offsets(%dma_start3A_1120 : memref<128xi32, #tpu.memory_space<vmem>>) semaphore(%arg9 : memref<!tpu.dma_semaphore, #tpu.memory_space<semaphore_mem>>)
      %mul3A_1124 = arith.constant 13 : i32
      %mul3A_1125 = arith.muli %add3A_993, %mul3A_1124 : i32
      %add3A_1126 = arith.constant 10 : i32
      %add3A_1127 = arith.addi %mul3A_1125, %add3A_1126 : i32
      %mul3A_1128 = arith.constant 128 : i32
      %mul3A_1129 = arith.muli %add3A_1127, %mul3A_1128 : i32
      %dma_start3A_1130 = arith.constant 1280 : i32
      %dma_start3A_1131 = arith.constant 0 : i32
      %dma_start3A_1132 = tpu.memref_slice %arg7[%dma_start3A_1130, %dma_start3A_1131] : memref<1664x32xf32, #tpu.memory_space<vmem>> -> memref<128x32xf32, #tpu.memory_space<vmem>>
      %dma_start3A_1133 = tpu.memref_slice %arg5[%mul3A_1129] : memref<13312xi32, #tpu.memory_space<vmem>> -> memref<128xi32, #tpu.memory_space<vmem>>
      %dma_start3A_1134 = arith.constant 0 : i32
      %dma_start3A_1135 = arith.constant 0 : i32
      %dma_start3A_1136 = tpu.memref_slice %arg3[%dma_start3A_1134, %dma_start3A_1135] : memref<1000000x32xf32, #tpu.memory_space<hbm>> -> memref<1000000x32xf32, #tpu.memory_space<hbm>>
      tpu.enqueue_indirect_dma source(%dma_start3A_1136 : memref<1000000x32xf32, #tpu.memory_space<hbm>>) target(%dma_start3A_1132 : memref<128x32xf32, #tpu.memory_space<vmem>>) offsets(%dma_start3A_1133 : memref<128xi32, #tpu.memory_space<vmem>>) semaphore(%arg9 : memref<!tpu.dma_semaphore, #tpu.memory_space<semaphore_mem>>)
      %mul3A_1137 = arith.constant 13 : i32
      %mul3A_1138 = arith.muli %add3A_993, %mul3A_1137 : i32
      %add3A_1139 = arith.constant 11 : i32
      %add3A_1140 = arith.addi %mul3A_1138, %add3A_1139 : i32
      %mul3A_1141 = arith.constant 128 : i32
      %mul3A_1142 = arith.muli %add3A_1140, %mul3A_1141 : i32
      %dma_start3A_1143 = arith.constant 1408 : i32
      %dma_start3A_1144 = arith.constant 0 : i32
      %dma_start3A_1145 = tpu.memref_slice %arg7[%dma_start3A_1143, %dma_start3A_1144] : memref<1664x32xf32, #tpu.memory_space<vmem>> -> memref<128x32xf32, #tpu.memory_space<vmem>>
      %dma_start3A_1146 = tpu.memref_slice %arg5[%mul3A_1142] : memref<13312xi32, #tpu.memory_space<vmem>> -> memref<128xi32, #tpu.memory_space<vmem>>
      %dma_start3A_1147 = arith.constant 0 : i32
      %dma_start3A_1148 = arith.constant 0 : i32
      %dma_start3A_1149 = tpu.memref_slice %arg3[%dma_start3A_1147, %dma_start3A_1148] : memref<1000000x32xf32, #tpu.memory_space<hbm>> -> memref<1000000x32xf32, #tpu.memory_space<hbm>>
      tpu.enqueue_indirect_dma source(%dma_start3A_1149 : memref<1000000x32xf32, #tpu.memory_space<hbm>>) target(%dma_start3A_1145 : memref<128x32xf32, #tpu.memory_space<vmem>>) offsets(%dma_start3A_1146 : memref<128xi32, #tpu.memory_space<vmem>>) semaphore(%arg9 : memref<!tpu.dma_semaphore, #tpu.memory_space<semaphore_mem>>)
      %mul3A_1150 = arith.constant 13 : i32
      %mul3A_1151 = arith.muli %add3A_993, %mul3A_1150 : i32
      %add3A_1152 = arith.constant 12 : i32
      %add3A_1153 = arith.addi %mul3A_1151, %add3A_1152 : i32
      %mul3A_1154 = arith.constant 128 : i32
      %mul3A_1155 = arith.muli %add3A_1153, %mul3A_1154 : i32
      %dma_start3A_1156 = arith.constant 1536 : i32
      %dma_start3A_1157 = arith.constant 0 : i32
      %dma_start3A_1158 = tpu.memref_slice %arg7[%dma_start3A_1156, %dma_start3A_1157] : memref<1664x32xf32, #tpu.memory_space<vmem>> -> memref<128x32xf32, #tpu.memory_space<vmem>>
      %dma_start3A_1159 = tpu.memref_slice %arg5[%mul3A_1155] : memref<13312xi32, #tpu.memory_space<vmem>> -> memref<128xi32, #tpu.memory_space<vmem>>
      %dma_start3A_1160 = arith.constant 0 : i32
      %dma_start3A_1161 = arith.constant 0 : i32
      %dma_start3A_1162 = tpu.memref_slice %arg3[%dma_start3A_1160, %dma_start3A_1161] : memref<1000000x32xf32, #tpu.memory_space<hbm>> -> memref<1000000x32xf32, #tpu.memory_space<hbm>>
      tpu.enqueue_indirect_dma source(%dma_start3A_1162 : memref<1000000x32xf32, #tpu.memory_space<hbm>>) target(%dma_start3A_1158 : memref<128x32xf32, #tpu.memory_space<vmem>>) offsets(%dma_start3A_1159 : memref<128xi32, #tpu.memory_space<vmem>>) semaphore(%arg9 : memref<!tpu.dma_semaphore, #tpu.memory_space<semaphore_mem>>)
    }
    %scan3A_214 = arith.constant 3 : i32
    %dma_wait3A = arith.constant 0 : i32
    %dma_wait3A_215 = arith.constant 0 : i32
    %dma_wait3A_216 = tpu.memref_slice %arg6[%dma_wait3A, %dma_wait3A_215] : memref<1664x32xf32, #tpu.memory_space<vmem>> -> memref<128x32xf32, #tpu.memory_space<vmem>>
    %dma_wait3A_217 = arith.constant 9984 : i32
    %dma_wait3A_218 = tpu.memref_slice %arg5[%dma_wait3A_217] : memref<13312xi32, #tpu.memory_space<vmem>> -> memref<128xi32, #tpu.memory_space<vmem>>
    %dma_wait3A_219 = arith.constant 0 : i32
    %dma_wait3A_220 = arith.constant 0 : i32
    %dma_wait3A_221 = tpu.memref_slice %arg3[%dma_wait3A_219, %dma_wait3A_220] : memref<1000000x32xf32, #tpu.memory_space<hbm>> -> memref<1000000x32xf32, #tpu.memory_space<hbm>>
    tpu.wait_indirect_dma semaphore(%arg8 : memref<!tpu.dma_semaphore, #tpu.memory_space<semaphore_mem>>) src(%dma_wait3A_221 : memref<1000000x32xf32, #tpu.memory_space<hbm>>) dst(%dma_wait3A_216 : memref<128x32xf32, #tpu.memory_space<vmem>>)
    %dma_wait3A_222 = arith.constant 128 : i32
    %dma_wait3A_223 = arith.constant 0 : i32
    %dma_wait3A_224 = tpu.memref_slice %arg6[%dma_wait3A_222, %dma_wait3A_223] : memref<1664x32xf32, #tpu.memory_space<vmem>> -> memref<128x32xf32, #tpu.memory_space<vmem>>
    %dma_wait3A_225 = arith.constant 10112 : i32
    %dma_wait3A_226 = tpu.memref_slice %arg5[%dma_wait3A_225] : memref<13312xi32, #tpu.memory_space<vmem>> -> memref<128xi32, #tpu.memory_space<vmem>>
    %dma_wait3A_227 = arith.constant 0 : i32
    %dma_wait3A_228 = arith.constant 0 : i32
    %dma_wait3A_229 = tpu.memref_slice %arg3[%dma_wait3A_227, %dma_wait3A_228] : memref<1000000x32xf32, #tpu.memory_space<hbm>> -> memref<1000000x32xf32, #tpu.memory_space<hbm>>
    tpu.wait_indirect_dma semaphore(%arg8 : memref<!tpu.dma_semaphore, #tpu.memory_space<semaphore_mem>>) src(%dma_wait3A_229 : memref<1000000x32xf32, #tpu.memory_space<hbm>>) dst(%dma_wait3A_224 : memref<128x32xf32, #tpu.memory_space<vmem>>)
    %dma_wait3A_230 = arith.constant 256 : i32
    %dma_wait3A_231 = arith.constant 0 : i32
    %dma_wait3A_232 = tpu.memref_slice %arg6[%dma_wait3A_230, %dma_wait3A_231] : memref<1664x32xf32, #tpu.memory_space<vmem>> -> memref<128x32xf32, #tpu.memory_space<vmem>>
    %dma_wait3A_233 = arith.constant 10240 : i32
    %dma_wait3A_234 = tpu.memref_slice %arg5[%dma_wait3A_233] : memref<13312xi32, #tpu.memory_space<vmem>> -> memref<128xi32, #tpu.memory_space<vmem>>
    %dma_wait3A_235 = arith.constant 0 : i32
    %dma_wait3A_236 = arith.constant 0 : i32
    %dma_wait3A_237 = tpu.memref_slice %arg3[%dma_wait3A_235, %dma_wait3A_236] : memref<1000000x32xf32, #tpu.memory_space<hbm>> -> memref<1000000x32xf32, #tpu.memory_space<hbm>>
    tpu.wait_indirect_dma semaphore(%arg8 : memref<!tpu.dma_semaphore, #tpu.memory_space<semaphore_mem>>) src(%dma_wait3A_237 : memref<1000000x32xf32, #tpu.memory_space<hbm>>) dst(%dma_wait3A_232 : memref<128x32xf32, #tpu.memory_space<vmem>>)
    %dma_wait3A_238 = arith.constant 384 : i32
    %dma_wait3A_239 = arith.constant 0 : i32
    %dma_wait3A_240 = tpu.memref_slice %arg6[%dma_wait3A_238, %dma_wait3A_239] : memref<1664x32xf32, #tpu.memory_space<vmem>> -> memref<128x32xf32, #tpu.memory_space<vmem>>
    %dma_wait3A_241 = arith.constant 10368 : i32
    %dma_wait3A_242 = tpu.memref_slice %arg5[%dma_wait3A_241] : memref<13312xi32, #tpu.memory_space<vmem>> -> memref<128xi32, #tpu.memory_space<vmem>>
    %dma_wait3A_243 = arith.constant 0 : i32
    %dma_wait3A_244 = arith.constant 0 : i32
    %dma_wait3A_245 = tpu.memref_slice %arg3[%dma_wait3A_243, %dma_wait3A_244] : memref<1000000x32xf32, #tpu.memory_space<hbm>> -> memref<1000000x32xf32, #tpu.memory_space<hbm>>
    tpu.wait_indirect_dma semaphore(%arg8 : memref<!tpu.dma_semaphore, #tpu.memory_space<semaphore_mem>>) src(%dma_wait3A_245 : memref<1000000x32xf32, #tpu.memory_space<hbm>>) dst(%dma_wait3A_240 : memref<128x32xf32, #tpu.memory_space<vmem>>)
    %dma_wait3A_246 = arith.constant 512 : i32
    %dma_wait3A_247 = arith.constant 0 : i32
    %dma_wait3A_248 = tpu.memref_slice %arg6[%dma_wait3A_246, %dma_wait3A_247] : memref<1664x32xf32, #tpu.memory_space<vmem>> -> memref<128x32xf32, #tpu.memory_space<vmem>>
    %dma_wait3A_249 = arith.constant 10496 : i32
    %dma_wait3A_250 = tpu.memref_slice %arg5[%dma_wait3A_249] : memref<13312xi32, #tpu.memory_space<vmem>> -> memref<128xi32, #tpu.memory_space<vmem>>
    %dma_wait3A_251 = arith.constant 0 : i32
    %dma_wait3A_252 = arith.constant 0 : i32
    %dma_wait3A_253 = tpu.memref_slice %arg3[%dma_wait3A_251, %dma_wait3A_252] : memref<1000000x32xf32, #tpu.memory_space<hbm>> -> memref<1000000x32xf32, #tpu.memory_space<hbm>>
    tpu.wait_indirect_dma semaphore(%arg8 : memref<!tpu.dma_semaphore, #tpu.memory_space<semaphore_mem>>) src(%dma_wait3A_253 : memref<1000000x32xf32, #tpu.memory_space<hbm>>) dst(%dma_wait3A_248 : memref<128x32xf32, #tpu.memory_space<vmem>>)
    %dma_wait3A_254 = arith.constant 640 : i32
    %dma_wait3A_255 = arith.constant 0 : i32
    %dma_wait3A_256 = tpu.memref_slice %arg6[%dma_wait3A_254, %dma_wait3A_255] : memref<1664x32xf32, #tpu.memory_space<vmem>> -> memref<128x32xf32, #tpu.memory_space<vmem>>
    %dma_wait3A_257 = arith.constant 10624 : i32
    %dma_wait3A_258 = tpu.memref_slice %arg5[%dma_wait3A_257] : memref<13312xi32, #tpu.memory_space<vmem>> -> memref<128xi32, #tpu.memory_space<vmem>>
    %dma_wait3A_259 = arith.constant 0 : i32
    %dma_wait3A_260 = arith.constant 0 : i32
    %dma_wait3A_261 = tpu.memref_slice %arg3[%dma_wait3A_259, %dma_wait3A_260] : memref<1000000x32xf32, #tpu.memory_space<hbm>> -> memref<1000000x32xf32, #tpu.memory_space<hbm>>
    tpu.wait_indirect_dma semaphore(%arg8 : memref<!tpu.dma_semaphore, #tpu.memory_space<semaphore_mem>>) src(%dma_wait3A_261 : memref<1000000x32xf32, #tpu.memory_space<hbm>>) dst(%dma_wait3A_256 : memref<128x32xf32, #tpu.memory_space<vmem>>)
    %dma_wait3A_262 = arith.constant 768 : i32
    %dma_wait3A_263 = arith.constant 0 : i32
    %dma_wait3A_264 = tpu.memref_slice %arg6[%dma_wait3A_262, %dma_wait3A_263] : memref<1664x32xf32, #tpu.memory_space<vmem>> -> memref<128x32xf32, #tpu.memory_space<vmem>>
    %dma_wait3A_265 = arith.constant 10752 : i32
    %dma_wait3A_266 = tpu.memref_slice %arg5[%dma_wait3A_265] : memref<13312xi32, #tpu.memory_space<vmem>> -> memref<128xi32, #tpu.memory_space<vmem>>
    %dma_wait3A_267 = arith.constant 0 : i32
    %dma_wait3A_268 = arith.constant 0 : i32
    %dma_wait3A_269 = tpu.memref_slice %arg3[%dma_wait3A_267, %dma_wait3A_268] : memref<1000000x32xf32, #tpu.memory_space<hbm>> -> memref<1000000x32xf32, #tpu.memory_space<hbm>>
    tpu.wait_indirect_dma semaphore(%arg8 : memref<!tpu.dma_semaphore, #tpu.memory_space<semaphore_mem>>) src(%dma_wait3A_269 : memref<1000000x32xf32, #tpu.memory_space<hbm>>) dst(%dma_wait3A_264 : memref<128x32xf32, #tpu.memory_space<vmem>>)
    %dma_wait3A_270 = arith.constant 896 : i32
    %dma_wait3A_271 = arith.constant 0 : i32
    %dma_wait3A_272 = tpu.memref_slice %arg6[%dma_wait3A_270, %dma_wait3A_271] : memref<1664x32xf32, #tpu.memory_space<vmem>> -> memref<128x32xf32, #tpu.memory_space<vmem>>
    %dma_wait3A_273 = arith.constant 10880 : i32
    %dma_wait3A_274 = tpu.memref_slice %arg5[%dma_wait3A_273] : memref<13312xi32, #tpu.memory_space<vmem>> -> memref<128xi32, #tpu.memory_space<vmem>>
    %dma_wait3A_275 = arith.constant 0 : i32
    %dma_wait3A_276 = arith.constant 0 : i32
    %dma_wait3A_277 = tpu.memref_slice %arg3[%dma_wait3A_275, %dma_wait3A_276] : memref<1000000x32xf32, #tpu.memory_space<hbm>> -> memref<1000000x32xf32, #tpu.memory_space<hbm>>
    tpu.wait_indirect_dma semaphore(%arg8 : memref<!tpu.dma_semaphore, #tpu.memory_space<semaphore_mem>>) src(%dma_wait3A_277 : memref<1000000x32xf32, #tpu.memory_space<hbm>>) dst(%dma_wait3A_272 : memref<128x32xf32, #tpu.memory_space<vmem>>)
    %dma_wait3A_278 = arith.constant 1024 : i32
    %dma_wait3A_279 = arith.constant 0 : i32
    %dma_wait3A_280 = tpu.memref_slice %arg6[%dma_wait3A_278, %dma_wait3A_279] : memref<1664x32xf32, #tpu.memory_space<vmem>> -> memref<128x32xf32, #tpu.memory_space<vmem>>
    %dma_wait3A_281 = arith.constant 11008 : i32
    %dma_wait3A_282 = tpu.memref_slice %arg5[%dma_wait3A_281] : memref<13312xi32, #tpu.memory_space<vmem>> -> memref<128xi32, #tpu.memory_space<vmem>>
    %dma_wait3A_283 = arith.constant 0 : i32
    %dma_wait3A_284 = arith.constant 0 : i32
    %dma_wait3A_285 = tpu.memref_slice %arg3[%dma_wait3A_283, %dma_wait3A_284] : memref<1000000x32xf32, #tpu.memory_space<hbm>> -> memref<1000000x32xf32, #tpu.memory_space<hbm>>
    tpu.wait_indirect_dma semaphore(%arg8 : memref<!tpu.dma_semaphore, #tpu.memory_space<semaphore_mem>>) src(%dma_wait3A_285 : memref<1000000x32xf32, #tpu.memory_space<hbm>>) dst(%dma_wait3A_280 : memref<128x32xf32, #tpu.memory_space<vmem>>)
    %dma_wait3A_286 = arith.constant 1152 : i32
    %dma_wait3A_287 = arith.constant 0 : i32
    %dma_wait3A_288 = tpu.memref_slice %arg6[%dma_wait3A_286, %dma_wait3A_287] : memref<1664x32xf32, #tpu.memory_space<vmem>> -> memref<128x32xf32, #tpu.memory_space<vmem>>
    %dma_wait3A_289 = arith.constant 11136 : i32
    %dma_wait3A_290 = tpu.memref_slice %arg5[%dma_wait3A_289] : memref<13312xi32, #tpu.memory_space<vmem>> -> memref<128xi32, #tpu.memory_space<vmem>>
    %dma_wait3A_291 = arith.constant 0 : i32
    %dma_wait3A_292 = arith.constant 0 : i32
    %dma_wait3A_293 = tpu.memref_slice %arg3[%dma_wait3A_291, %dma_wait3A_292] : memref<1000000x32xf32, #tpu.memory_space<hbm>> -> memref<1000000x32xf32, #tpu.memory_space<hbm>>
    tpu.wait_indirect_dma semaphore(%arg8 : memref<!tpu.dma_semaphore, #tpu.memory_space<semaphore_mem>>) src(%dma_wait3A_293 : memref<1000000x32xf32, #tpu.memory_space<hbm>>) dst(%dma_wait3A_288 : memref<128x32xf32, #tpu.memory_space<vmem>>)
    %dma_wait3A_294 = arith.constant 1280 : i32
    %dma_wait3A_295 = arith.constant 0 : i32
    %dma_wait3A_296 = tpu.memref_slice %arg6[%dma_wait3A_294, %dma_wait3A_295] : memref<1664x32xf32, #tpu.memory_space<vmem>> -> memref<128x32xf32, #tpu.memory_space<vmem>>
    %dma_wait3A_297 = arith.constant 11264 : i32
    %dma_wait3A_298 = tpu.memref_slice %arg5[%dma_wait3A_297] : memref<13312xi32, #tpu.memory_space<vmem>> -> memref<128xi32, #tpu.memory_space<vmem>>
    %dma_wait3A_299 = arith.constant 0 : i32
    %dma_wait3A_300 = arith.constant 0 : i32
    %dma_wait3A_301 = tpu.memref_slice %arg3[%dma_wait3A_299, %dma_wait3A_300] : memref<1000000x32xf32, #tpu.memory_space<hbm>> -> memref<1000000x32xf32, #tpu.memory_space<hbm>>
    tpu.wait_indirect_dma semaphore(%arg8 : memref<!tpu.dma_semaphore, #tpu.memory_space<semaphore_mem>>) src(%dma_wait3A_301 : memref<1000000x32xf32, #tpu.memory_space<hbm>>) dst(%dma_wait3A_296 : memref<128x32xf32, #tpu.memory_space<vmem>>)
    %dma_wait3A_302 = arith.constant 1408 : i32
    %dma_wait3A_303 = arith.constant 0 : i32
    %dma_wait3A_304 = tpu.memref_slice %arg6[%dma_wait3A_302, %dma_wait3A_303] : memref<1664x32xf32, #tpu.memory_space<vmem>> -> memref<128x32xf32, #tpu.memory_space<vmem>>
    %dma_wait3A_305 = arith.constant 11392 : i32
    %dma_wait3A_306 = tpu.memref_slice %arg5[%dma_wait3A_305] : memref<13312xi32, #tpu.memory_space<vmem>> -> memref<128xi32, #tpu.memory_space<vmem>>
    %dma_wait3A_307 = arith.constant 0 : i32
    %dma_wait3A_308 = arith.constant 0 : i32
    %dma_wait3A_309 = tpu.memref_slice %arg3[%dma_wait3A_307, %dma_wait3A_308] : memref<1000000x32xf32, #tpu.memory_space<hbm>> -> memref<1000000x32xf32, #tpu.memory_space<hbm>>
    tpu.wait_indirect_dma semaphore(%arg8 : memref<!tpu.dma_semaphore, #tpu.memory_space<semaphore_mem>>) src(%dma_wait3A_309 : memref<1000000x32xf32, #tpu.memory_space<hbm>>) dst(%dma_wait3A_304 : memref<128x32xf32, #tpu.memory_space<vmem>>)
    %dma_wait3A_310 = arith.constant 1536 : i32
    %dma_wait3A_311 = arith.constant 0 : i32
    %dma_wait3A_312 = tpu.memref_slice %arg6[%dma_wait3A_310, %dma_wait3A_311] : memref<1664x32xf32, #tpu.memory_space<vmem>> -> memref<128x32xf32, #tpu.memory_space<vmem>>
    %dma_wait3A_313 = arith.constant 11520 : i32
    %dma_wait3A_314 = tpu.memref_slice %arg5[%dma_wait3A_313] : memref<13312xi32, #tpu.memory_space<vmem>> -> memref<128xi32, #tpu.memory_space<vmem>>
    %dma_wait3A_315 = arith.constant 0 : i32
    %dma_wait3A_316 = arith.constant 0 : i32
    %dma_wait3A_317 = tpu.memref_slice %arg3[%dma_wait3A_315, %dma_wait3A_316] : memref<1000000x32xf32, #tpu.memory_space<hbm>> -> memref<1000000x32xf32, #tpu.memory_space<hbm>>
    tpu.wait_indirect_dma semaphore(%arg8 : memref<!tpu.dma_semaphore, #tpu.memory_space<semaphore_mem>>) src(%dma_wait3A_317 : memref<1000000x32xf32, #tpu.memory_space<hbm>>) dst(%dma_wait3A_312 : memref<128x32xf32, #tpu.memory_space<vmem>>)
    %add3A_318 = arith.constant 9984 : i32
    %add3A_319 = arith.addi %mul3A_2, %add3A_318 : i32
    %dma_start3A_320 = arith.constant 0 : i32
    %dma_start3A_321 = tpu.memref_slice %arg4[%add3A_319, %dma_start3A_320] : memref<425984x32xf32, #tpu.memory_space<hbm>> -> memref<1664x32xf32, #tpu.memory_space<hbm>>
    %dma_start3A_322 = arith.constant 0 : i32
    %dma_start3A_323 = tpu.memref_slice %arg4[%add3A_319, %dma_start3A_322] : memref<425984x32xf32, #tpu.memory_space<hbm>> -> memref<1664x32xf32, #tpu.memory_space<hbm>>
    tpu.enqueue_dma source(%arg6 : memref<1664x32xf32, #tpu.memory_space<vmem>>) target(%dma_start3A_323 : memref<1664x32xf32, #tpu.memory_space<hbm>>) target_semaphore(%arg10 : memref<!tpu.dma_semaphore, #tpu.memory_space<semaphore_mem>>)
    %dma_wait3A_324 = arith.constant 0 : i32
    %dma_wait3A_325 = arith.constant 0 : i32
    %dma_wait3A_326 = tpu.memref_slice %arg7[%dma_wait3A_324, %dma_wait3A_325] : memref<1664x32xf32, #tpu.memory_space<vmem>> -> memref<128x32xf32, #tpu.memory_space<vmem>>
    %dma_wait3A_327 = arith.constant 11648 : i32
    %dma_wait3A_328 = tpu.memref_slice %arg5[%dma_wait3A_327] : memref<13312xi32, #tpu.memory_space<vmem>> -> memref<128xi32, #tpu.memory_space<vmem>>
    %dma_wait3A_329 = arith.constant 0 : i32
    %dma_wait3A_330 = arith.constant 0 : i32
    %dma_wait3A_331 = tpu.memref_slice %arg3[%dma_wait3A_329, %dma_wait3A_330] : memref<1000000x32xf32, #tpu.memory_space<hbm>> -> memref<1000000x32xf32, #tpu.memory_space<hbm>>
    tpu.wait_indirect_dma semaphore(%arg9 : memref<!tpu.dma_semaphore, #tpu.memory_space<semaphore_mem>>) src(%dma_wait3A_331 : memref<1000000x32xf32, #tpu.memory_space<hbm>>) dst(%dma_wait3A_326 : memref<128x32xf32, #tpu.memory_space<vmem>>)
    %dma_wait3A_332 = arith.constant 128 : i32
    %dma_wait3A_333 = arith.constant 0 : i32
    %dma_wait3A_334 = tpu.memref_slice %arg7[%dma_wait3A_332, %dma_wait3A_333] : memref<1664x32xf32, #tpu.memory_space<vmem>> -> memref<128x32xf32, #tpu.memory_space<vmem>>
    %dma_wait3A_335 = arith.constant 11776 : i32
    %dma_wait3A_336 = tpu.memref_slice %arg5[%dma_wait3A_335] : memref<13312xi32, #tpu.memory_space<vmem>> -> memref<128xi32, #tpu.memory_space<vmem>>
    %dma_wait3A_337 = arith.constant 0 : i32
    %dma_wait3A_338 = arith.constant 0 : i32
    %dma_wait3A_339 = tpu.memref_slice %arg3[%dma_wait3A_337, %dma_wait3A_338] : memref<1000000x32xf32, #tpu.memory_space<hbm>> -> memref<1000000x32xf32, #tpu.memory_space<hbm>>
    tpu.wait_indirect_dma semaphore(%arg9 : memref<!tpu.dma_semaphore, #tpu.memory_space<semaphore_mem>>) src(%dma_wait3A_339 : memref<1000000x32xf32, #tpu.memory_space<hbm>>) dst(%dma_wait3A_334 : memref<128x32xf32, #tpu.memory_space<vmem>>)
    %dma_wait3A_340 = arith.constant 256 : i32
    %dma_wait3A_341 = arith.constant 0 : i32
    %dma_wait3A_342 = tpu.memref_slice %arg7[%dma_wait3A_340, %dma_wait3A_341] : memref<1664x32xf32, #tpu.memory_space<vmem>> -> memref<128x32xf32, #tpu.memory_space<vmem>>
    %dma_wait3A_343 = arith.constant 11904 : i32
    %dma_wait3A_344 = tpu.memref_slice %arg5[%dma_wait3A_343] : memref<13312xi32, #tpu.memory_space<vmem>> -> memref<128xi32, #tpu.memory_space<vmem>>
    %dma_wait3A_345 = arith.constant 0 : i32
    %dma_wait3A_346 = arith.constant 0 : i32
    %dma_wait3A_347 = tpu.memref_slice %arg3[%dma_wait3A_345, %dma_wait3A_346] : memref<1000000x32xf32, #tpu.memory_space<hbm>> -> memref<1000000x32xf32, #tpu.memory_space<hbm>>
    tpu.wait_indirect_dma semaphore(%arg9 : memref<!tpu.dma_semaphore, #tpu.memory_space<semaphore_mem>>) src(%dma_wait3A_347 : memref<1000000x32xf32, #tpu.memory_space<hbm>>) dst(%dma_wait3A_342 : memref<128x32xf32, #tpu.memory_space<vmem>>)
    %dma_wait3A_348 = arith.constant 384 : i32
    %dma_wait3A_349 = arith.constant 0 : i32
    %dma_wait3A_350 = tpu.memref_slice %arg7[%dma_wait3A_348, %dma_wait3A_349] : memref<1664x32xf32, #tpu.memory_space<vmem>> -> memref<128x32xf32, #tpu.memory_space<vmem>>
    %dma_wait3A_351 = arith.constant 12032 : i32
    %dma_wait3A_352 = tpu.memref_slice %arg5[%dma_wait3A_351] : memref<13312xi32, #tpu.memory_space<vmem>> -> memref<128xi32, #tpu.memory_space<vmem>>
    %dma_wait3A_353 = arith.constant 0 : i32
    %dma_wait3A_354 = arith.constant 0 : i32
    %dma_wait3A_355 = tpu.memref_slice %arg3[%dma_wait3A_353, %dma_wait3A_354] : memref<1000000x32xf32, #tpu.memory_space<hbm>> -> memref<1000000x32xf32, #tpu.memory_space<hbm>>
    tpu.wait_indirect_dma semaphore(%arg9 : memref<!tpu.dma_semaphore, #tpu.memory_space<semaphore_mem>>) src(%dma_wait3A_355 : memref<1000000x32xf32, #tpu.memory_space<hbm>>) dst(%dma_wait3A_350 : memref<128x32xf32, #tpu.memory_space<vmem>>)
    %dma_wait3A_356 = arith.constant 512 : i32
    %dma_wait3A_357 = arith.constant 0 : i32
    %dma_wait3A_358 = tpu.memref_slice %arg7[%dma_wait3A_356, %dma_wait3A_357] : memref<1664x32xf32, #tpu.memory_space<vmem>> -> memref<128x32xf32, #tpu.memory_space<vmem>>
    %dma_wait3A_359 = arith.constant 12160 : i32
    %dma_wait3A_360 = tpu.memref_slice %arg5[%dma_wait3A_359] : memref<13312xi32, #tpu.memory_space<vmem>> -> memref<128xi32, #tpu.memory_space<vmem>>
    %dma_wait3A_361 = arith.constant 0 : i32
    %dma_wait3A_362 = arith.constant 0 : i32
    %dma_wait3A_363 = tpu.memref_slice %arg3[%dma_wait3A_361, %dma_wait3A_362] : memref<1000000x32xf32, #tpu.memory_space<hbm>> -> memref<1000000x32xf32, #tpu.memory_space<hbm>>
    tpu.wait_indirect_dma semaphore(%arg9 : memref<!tpu.dma_semaphore, #tpu.memory_space<semaphore_mem>>) src(%dma_wait3A_363 : memref<1000000x32xf32, #tpu.memory_space<hbm>>) dst(%dma_wait3A_358 : memref<128x32xf32, #tpu.memory_space<vmem>>)
    %dma_wait3A_364 = arith.constant 640 : i32
    %dma_wait3A_365 = arith.constant 0 : i32
    %dma_wait3A_366 = tpu.memref_slice %arg7[%dma_wait3A_364, %dma_wait3A_365] : memref<1664x32xf32, #tpu.memory_space<vmem>> -> memref<128x32xf32, #tpu.memory_space<vmem>>
    %dma_wait3A_367 = arith.constant 12288 : i32
    %dma_wait3A_368 = tpu.memref_slice %arg5[%dma_wait3A_367] : memref<13312xi32, #tpu.memory_space<vmem>> -> memref<128xi32, #tpu.memory_space<vmem>>
    %dma_wait3A_369 = arith.constant 0 : i32
    %dma_wait3A_370 = arith.constant 0 : i32
    %dma_wait3A_371 = tpu.memref_slice %arg3[%dma_wait3A_369, %dma_wait3A_370] : memref<1000000x32xf32, #tpu.memory_space<hbm>> -> memref<1000000x32xf32, #tpu.memory_space<hbm>>
    tpu.wait_indirect_dma semaphore(%arg9 : memref<!tpu.dma_semaphore, #tpu.memory_space<semaphore_mem>>) src(%dma_wait3A_371 : memref<1000000x32xf32, #tpu.memory_space<hbm>>) dst(%dma_wait3A_366 : memref<128x32xf32, #tpu.memory_space<vmem>>)
    %dma_wait3A_372 = arith.constant 768 : i32
    %dma_wait3A_373 = arith.constant 0 : i32
    %dma_wait3A_374 = tpu.memref_slice %arg7[%dma_wait3A_372, %dma_wait3A_373] : memref<1664x32xf32, #tpu.memory_space<vmem>> -> memref<128x32xf32, #tpu.memory_space<vmem>>
    %dma_wait3A_375 = arith.constant 12416 : i32
    %dma_wait3A_376 = tpu.memref_slice %arg5[%dma_wait3A_375] : memref<13312xi32, #tpu.memory_space<vmem>> -> memref<128xi32, #tpu.memory_space<vmem>>
    %dma_wait3A_377 = arith.constant 0 : i32
    %dma_wait3A_378 = arith.constant 0 : i32
    %dma_wait3A_379 = tpu.memref_slice %arg3[%dma_wait3A_377, %dma_wait3A_378] : memref<1000000x32xf32, #tpu.memory_space<hbm>> -> memref<1000000x32xf32, #tpu.memory_space<hbm>>
    tpu.wait_indirect_dma semaphore(%arg9 : memref<!tpu.dma_semaphore, #tpu.memory_space<semaphore_mem>>) src(%dma_wait3A_379 : memref<1000000x32xf32, #tpu.memory_space<hbm>>) dst(%dma_wait3A_374 : memref<128x32xf32, #tpu.memory_space<vmem>>)
    %dma_wait3A_380 = arith.constant 896 : i32
    %dma_wait3A_381 = arith.constant 0 : i32
    %dma_wait3A_382 = tpu.memref_slice %arg7[%dma_wait3A_380, %dma_wait3A_381] : memref<1664x32xf32, #tpu.memory_space<vmem>> -> memref<128x32xf32, #tpu.memory_space<vmem>>
    %dma_wait3A_383 = arith.constant 12544 : i32
    %dma_wait3A_384 = tpu.memref_slice %arg5[%dma_wait3A_383] : memref<13312xi32, #tpu.memory_space<vmem>> -> memref<128xi32, #tpu.memory_space<vmem>>
    %dma_wait3A_385 = arith.constant 0 : i32
    %dma_wait3A_386 = arith.constant 0 : i32
    %dma_wait3A_387 = tpu.memref_slice %arg3[%dma_wait3A_385, %dma_wait3A_386] : memref<1000000x32xf32, #tpu.memory_space<hbm>> -> memref<1000000x32xf32, #tpu.memory_space<hbm>>
    tpu.wait_indirect_dma semaphore(%arg9 : memref<!tpu.dma_semaphore, #tpu.memory_space<semaphore_mem>>) src(%dma_wait3A_387 : memref<1000000x32xf32, #tpu.memory_space<hbm>>) dst(%dma_wait3A_382 : memref<128x32xf32, #tpu.memory_space<vmem>>)
    %dma_wait3A_388 = arith.constant 1024 : i32
    %dma_wait3A_389 = arith.constant 0 : i32
    %dma_wait3A_390 = tpu.memref_slice %arg7[%dma_wait3A_388, %dma_wait3A_389] : memref<1664x32xf32, #tpu.memory_space<vmem>> -> memref<128x32xf32, #tpu.memory_space<vmem>>
    %dma_wait3A_391 = arith.constant 12672 : i32
    %dma_wait3A_392 = tpu.memref_slice %arg5[%dma_wait3A_391] : memref<13312xi32, #tpu.memory_space<vmem>> -> memref<128xi32, #tpu.memory_space<vmem>>
    %dma_wait3A_393 = arith.constant 0 : i32
    %dma_wait3A_394 = arith.constant 0 : i32
    %dma_wait3A_395 = tpu.memref_slice %arg3[%dma_wait3A_393, %dma_wait3A_394] : memref<1000000x32xf32, #tpu.memory_space<hbm>> -> memref<1000000x32xf32, #tpu.memory_space<hbm>>
    tpu.wait_indirect_dma semaphore(%arg9 : memref<!tpu.dma_semaphore, #tpu.memory_space<semaphore_mem>>) src(%dma_wait3A_395 : memref<1000000x32xf32, #tpu.memory_space<hbm>>) dst(%dma_wait3A_390 : memref<128x32xf32, #tpu.memory_space<vmem>>)
    %dma_wait3A_396 = arith.constant 1152 : i32
    %dma_wait3A_397 = arith.constant 0 : i32
    %dma_wait3A_398 = tpu.memref_slice %arg7[%dma_wait3A_396, %dma_wait3A_397] : memref<1664x32xf32, #tpu.memory_space<vmem>> -> memref<128x32xf32, #tpu.memory_space<vmem>>
    %dma_wait3A_399 = arith.constant 12800 : i32
    %dma_wait3A_400 = tpu.memref_slice %arg5[%dma_wait3A_399] : memref<13312xi32, #tpu.memory_space<vmem>> -> memref<128xi32, #tpu.memory_space<vmem>>
    %dma_wait3A_401 = arith.constant 0 : i32
    %dma_wait3A_402 = arith.constant 0 : i32
    %dma_wait3A_403 = tpu.memref_slice %arg3[%dma_wait3A_401, %dma_wait3A_402] : memref<1000000x32xf32, #tpu.memory_space<hbm>> -> memref<1000000x32xf32, #tpu.memory_space<hbm>>
    tpu.wait_indirect_dma semaphore(%arg9 : memref<!tpu.dma_semaphore, #tpu.memory_space<semaphore_mem>>) src(%dma_wait3A_403 : memref<1000000x32xf32, #tpu.memory_space<hbm>>) dst(%dma_wait3A_398 : memref<128x32xf32, #tpu.memory_space<vmem>>)
    %dma_wait3A_404 = arith.constant 1280 : i32
    %dma_wait3A_405 = arith.constant 0 : i32
    %dma_wait3A_406 = tpu.memref_slice %arg7[%dma_wait3A_404, %dma_wait3A_405] : memref<1664x32xf32, #tpu.memory_space<vmem>> -> memref<128x32xf32, #tpu.memory_space<vmem>>
    %dma_wait3A_407 = arith.constant 12928 : i32
    %dma_wait3A_408 = tpu.memref_slice %arg5[%dma_wait3A_407] : memref<13312xi32, #tpu.memory_space<vmem>> -> memref<128xi32, #tpu.memory_space<vmem>>
    %dma_wait3A_409 = arith.constant 0 : i32
    %dma_wait3A_410 = arith.constant 0 : i32
    %dma_wait3A_411 = tpu.memref_slice %arg3[%dma_wait3A_409, %dma_wait3A_410] : memref<1000000x32xf32, #tpu.memory_space<hbm>> -> memref<1000000x32xf32, #tpu.memory_space<hbm>>
    tpu.wait_indirect_dma semaphore(%arg9 : memref<!tpu.dma_semaphore, #tpu.memory_space<semaphore_mem>>) src(%dma_wait3A_411 : memref<1000000x32xf32, #tpu.memory_space<hbm>>) dst(%dma_wait3A_406 : memref<128x32xf32, #tpu.memory_space<vmem>>)
    %dma_wait3A_412 = arith.constant 1408 : i32
    %dma_wait3A_413 = arith.constant 0 : i32
    %dma_wait3A_414 = tpu.memref_slice %arg7[%dma_wait3A_412, %dma_wait3A_413] : memref<1664x32xf32, #tpu.memory_space<vmem>> -> memref<128x32xf32, #tpu.memory_space<vmem>>
    %dma_wait3A_415 = arith.constant 13056 : i32
    %dma_wait3A_416 = tpu.memref_slice %arg5[%dma_wait3A_415] : memref<13312xi32, #tpu.memory_space<vmem>> -> memref<128xi32, #tpu.memory_space<vmem>>
    %dma_wait3A_417 = arith.constant 0 : i32
    %dma_wait3A_418 = arith.constant 0 : i32
    %dma_wait3A_419 = tpu.memref_slice %arg3[%dma_wait3A_417, %dma_wait3A_418] : memref<1000000x32xf32, #tpu.memory_space<hbm>> -> memref<1000000x32xf32, #tpu.memory_space<hbm>>
    tpu.wait_indirect_dma semaphore(%arg9 : memref<!tpu.dma_semaphore, #tpu.memory_space<semaphore_mem>>) src(%dma_wait3A_419 : memref<1000000x32xf32, #tpu.memory_space<hbm>>) dst(%dma_wait3A_414 : memref<128x32xf32, #tpu.memory_space<vmem>>)
    %dma_wait3A_420 = arith.constant 1536 : i32
    %dma_wait3A_421 = arith.constant 0 : i32
    %dma_wait3A_422 = tpu.memref_slice %arg7[%dma_wait3A_420, %dma_wait3A_421] : memref<1664x32xf32, #tpu.memory_space<vmem>> -> memref<128x32xf32, #tpu.memory_space<vmem>>
    %dma_wait3A_423 = arith.constant 13184 : i32
    %dma_wait3A_424 = tpu.memref_slice %arg5[%dma_wait3A_423] : memref<13312xi32, #tpu.memory_space<vmem>> -> memref<128xi32, #tpu.memory_space<vmem>>
    %dma_wait3A_425 = arith.constant 0 : i32
    %dma_wait3A_426 = arith.constant 0 : i32
    %dma_wait3A_427 = tpu.memref_slice %arg3[%dma_wait3A_425, %dma_wait3A_426] : memref<1000000x32xf32, #tpu.memory_space<hbm>> -> memref<1000000x32xf32, #tpu.memory_space<hbm>>
    tpu.wait_indirect_dma semaphore(%arg9 : memref<!tpu.dma_semaphore, #tpu.memory_space<semaphore_mem>>) src(%dma_wait3A_427 : memref<1000000x32xf32, #tpu.memory_space<hbm>>) dst(%dma_wait3A_422 : memref<128x32xf32, #tpu.memory_space<vmem>>)
    %add3A_428 = arith.constant 11648 : i32
    %add3A_429 = arith.addi %mul3A_2, %add3A_428 : i32
    %dma_start3A_430 = arith.constant 0 : i32
    %dma_start3A_431 = tpu.memref_slice %arg4[%add3A_429, %dma_start3A_430] : memref<425984x32xf32, #tpu.memory_space<hbm>> -> memref<1664x32xf32, #tpu.memory_space<hbm>>
    %dma_start3A_432 = arith.constant 0 : i32
    %dma_start3A_433 = tpu.memref_slice %arg4[%add3A_429, %dma_start3A_432] : memref<425984x32xf32, #tpu.memory_space<hbm>> -> memref<1664x32xf32, #tpu.memory_space<hbm>>
    tpu.enqueue_dma source(%arg7 : memref<1664x32xf32, #tpu.memory_space<vmem>>) target(%dma_start3A_433 : memref<1664x32xf32, #tpu.memory_space<hbm>>) target_semaphore(%arg11 : memref<!tpu.dma_semaphore, #tpu.memory_space<semaphore_mem>>)
    %add3A_434 = arith.constant 9984 : i32
    %add3A_435 = arith.addi %mul3A_2, %add3A_434 : i32
    %dma_wait3A_436 = arith.constant 0 : i32
    %dma_wait3A_437 = tpu.memref_slice %arg4[%add3A_435, %dma_wait3A_436] : memref<425984x32xf32, #tpu.memory_space<hbm>> -> memref<1664x32xf32, #tpu.memory_space<hbm>>
    %dma_wait3A_438 = arith.constant 0 : i32
    %dma_wait3A_439 = tpu.memref_slice %arg4[%add3A_435, %dma_wait3A_438] : memref<425984x32xf32, #tpu.memory_space<hbm>> -> memref<1664x32xf32, #tpu.memory_space<hbm>>
    tpu.wait_dma2 semaphore(%arg10 : memref<!tpu.dma_semaphore, #tpu.memory_space<semaphore_mem>>) src(%arg6 : memref<1664x32xf32, #tpu.memory_space<vmem>>) dst(%dma_wait3A_439 : memref<1664x32xf32, #tpu.memory_space<hbm>>)
    %add3A_440 = arith.constant 11648 : i32
    %add3A_441 = arith.addi %mul3A_2, %add3A_440 : i32
    %dma_wait3A_442 = arith.constant 0 : i32
    %dma_wait3A_443 = tpu.memref_slice %arg4[%add3A_441, %dma_wait3A_442] : memref<425984x32xf32, #tpu.memory_space<hbm>> -> memref<1664x32xf32, #tpu.memory_space<hbm>>
    %dma_wait3A_444 = arith.constant 0 : i32
    %dma_wait3A_445 = tpu.memref_slice %arg4[%add3A_441, %dma_wait3A_444] : memref<425984x32xf32, #tpu.memory_space<hbm>> -> memref<1664x32xf32, #tpu.memory_space<hbm>>
    tpu.wait_dma2 semaphore(%arg11 : memref<!tpu.dma_semaphore, #tpu.memory_space<semaphore_mem>>) src(%arg7 : memref<1664x32xf32, #tpu.memory_space<vmem>>) dst(%dma_wait3A_445 : memref<1664x32xf32, #tpu.memory_space<hbm>>)
    return
  }
}

</mosaic_0001>

<sc_bundles>
// kernel: kernel.3.cloned.1.call-start
scs
__scs_entry_jumppad:
0x0: {  	(pc) =	sbr.rel $0x88, $3  }
0x1: {  	(tag) =	ssettag $0x0;
	lr =	simm.s32 $0x1  }
0x2: {  	[smem:$0x3F9F] =	sst lr;
	_ =	strace $0xD0000000  }
0x3: {  	_ = 	snop  }
0x4: {  	_ = 	snop  }
0x5: {  	_ = 	snop  }
0x6: {  	_ = 	snop  }
0x7: {  	_ = 	snop  }
__scs_overlays_trampoline_lowered:
0x8: {  	[smem:$0x3FAE] =	sst s0  }
0x9: {  	[smem:$0x3FAF] =	sst s1  }
0xa: {  	[smem:$0x3FB0] =	sst s2  }
0xb: {  	[smem:$0x3FB1] =	sst s3  }
0xc: {  	[smem:$0x3FB2] =	sst s4  }
0xd: {  	[smem:$0x3FB3] =	sst s5  }
0xe: {  	[smem:$0x3FB4] =	sst s6  }
0xf: {  	[smem:$0x3FB5] =	sst s7  }
0x10: {  	[smem:$0x3FB6] =	sst s8  }
0x11: {  	[smem:$0x3FB7] =	sst s9;
	s0 =	simm.s32 @!p0 $0x0  }
0x12: {  	s1 =	sld [smem:$0x3F9D];
	s0 =	simm.s32 @p0 $0x1  }
0x13: {  	[smem:$0x3FB8] =	sst s0;
	s0 =	simm.s32 @!p1 $0x0  }
0x14: {  	s2 =	sld [smem:$0x3F9C];
	s0 =	simm.s32 @p1 $0x1  }
0x15: {  	[smem:$0x3FB9] =	sst s0;
	s0 =	simm.s32 @!p2 $0x0  }
0x16: {  	s3 =	sld [smem:$0x3FDB];
	s0 =	simm.s32 @p2 $0x1  }
0x17: {  	s4 =	simm.s32 $0x1BF5;
	[smem:$0x3FBB] =	sst s0  }
0x18: {  	s0 =	sld [smem:$0x3F9E];
	_ =	swait.ge [sflag:s4], $0x0  }
0x19: {  	s7 =	sld [smem:$0x3F9F]  }
0x1a: {  	s8 =	sadd.s32 $0xFFFFE003, lr  }
0x1b: {  	s9 =	sadd.s32 $0xFFFFFEF7, lr;
	s5 =	simm.s32 $0xFFFFFFFF;
	p2 =	slt.u32 s8, $0xFFFFF086  }
0x1c: {  	p1 =	slt.u32 s9, $0xF7A;
	s5 =	simm.s32 @!p2 $0x0  }
0x1d: {  	s5 =	simm.s32 @p1 $0x1;
	p0 =	seq.s32 s7, s2  }
0x1e: {  	s7 =	smul.u32 @!p0 $0xF7A, s2;
	p2 =	seq.s32 @!p0 s5, $0x0  }
0x1f: {  	s9 =	smul.u32 $0xF7A, s1;
	s8 =	simm.s32 @!p0 $0x1BF5;
	p2 =	por !p2, p0  }
0x20: {  	[sflag:s8] =	ssyncset.s32 @!p0 $0xFFFFF086;
	s6 =	sadd.s32 @!p0 s3, s7;
	s7 =	simm.s32 @!p0 $0x108  }
0x21: {  	s3 =	sadd.s32 s3, s9;
	s6 =	sadd.s32 @!p0 $0x88, s6;
	s7 =	simm.s32 @p2 $0x1082  }
0x22: {  	[simem:s7], [sflag:s8] =	dma.local @!p0 [hbm:s6], $0xF7A  }
0x23: {  	s9 =	sor.u32 $0xD0000000, s2;
	s6 =	simm.s32 $0x108;
	_ =	swait.ge @!p0 [sflag:s8], $0x0  }
0x24: {  	s3 =	sadd.s32 $0x88, s3;
	s6 =	simm.s32 @!p1 $0x1082;
	[sflag:s4] =	ssyncset.s32 $0xFFFFF086  }
0x25: {  	[simem:s6], [sflag:s4] =	dma.local [hbm:s3], $0xF7A  }
0x26: {  	[smem:$0x3F9F] =	sst s1;
	(tag) =	ssettag s2;
	_ =	strace s9  }
0x27: {  	s1 =	sld [smem:$0x3FAF]  }
0x28: {  	s2 =	sld [smem:$0x3FB0]  }
0x29: {  	s4 =	sld [smem:$0x3FB2]  }
0x2a: {  	p0 =	seq.s32 s5, $0x0;
	s5 =	sld [smem:$0x3FB3]  }
0x2b: {  	s6 =	sld [smem:$0x3FB4]  }
0x2c: {  	s7 =	sld [smem:$0x3FB5]  }
0x2d: {  	s3 =	simm.s32 $0x108;
	s8 =	sld [smem:$0x3FB6]  }
0x2e: {  	s3 =	simm.s32 @!p0 $0x1082;
	s9 =	sld [smem:$0x3FB7]  }
0x2f: {  	lr =	sadd.s32 s0, s3;
	s0 =	sld [smem:$0x3FAE]  }
0x30: {  	s3 =	sld [smem:$0x3FB1]  }
0x31: {  	[smem:$0x3FBA] =	sst s10  }
0x32: {  	s10 =	sld [smem:$0x3FB8];
	_ =	sdelay $0x3  }
0x33: {  	p0 =	seq.s32 s10, $0x1;
	s10 =	sld [smem:$0x3FBA];
	_ =	sdelay $0x3  }
0x34: {  	[smem:$0x3FBA] =	sst s10  }
0x35: {  	s10 =	sld [smem:$0x3FB9];
	_ =	sdelay $0x3  }
0x36: {  	p1 =	seq.s32 s10, $0x1;
	s10 =	sld [smem:$0x3FBA];
	_ =	sdelay $0x3  }
0x37: {  	[smem:$0x3FBA] =	sst s10  }
0x38: {  	s10 =	sld [smem:$0x3FBB]  }
0x39: {  	_ = 	snop;
	(pc) =	sbr.ind lr, $3  }
0x3a: {  	_ = 	snop  }
0x3b: {  	_ = 	snop  }
0x3c: {  	p2 =	seq.s32 s10, $0x1;
	s10 =	sld [smem:$0x3FBA]  }
0x3d: {  	_ =	shalt  }
0x3e: {  	_ =	shalt  }
0x3f: {  	_ =	shalt  }
0x40: {  	_ =	shalt  }
0x41: {  	_ =	shalt  }
0x42: {  	_ =	shalt  }
0x43: {  	_ =	shalt  }
0x44: {  	_ =	shalt  }
0x45: {  	_ =	shalt  }
0x46: {  	_ =	shalt  }
0x47: {  	_ =	shalt  }
0x48: {  	_ =	shalt  }
0x49: {  	_ =	shalt  }
0x4a: {  	_ =	shalt  }
0x4b: {  	_ =	shalt  }
0x4c: {  	_ =	shalt  }
0x4d: {  	_ =	shalt  }
0x4e: {  	_ =	shalt  }
0x4f: {  	_ =	shalt  }
0x50: {  	_ =	shalt  }
0x51: {  	_ =	shalt  }
0x52: {  	_ =	shalt  }
0x53: {  	_ =	shalt  }
0x54: {  	_ =	shalt  }
0x55: {  	_ =	shalt  }
0x56: {  	_ =	shalt  }
0x57: {  	_ =	shalt  }
0x58: {  	_ =	shalt  }
0x59: {  	_ =	shalt  }
0x5a: {  	_ =	shalt  }
0x5b: {  	_ =	shalt  }
0x5c: {  	_ =	shalt  }
0x5d: {  	_ =	shalt  }
0x5e: {  	_ =	shalt  }
0x5f: {  	_ =	shalt  }
0x60: {  	_ =	shalt  }
0x61: {  	_ =	shalt  }
0x62: {  	_ =	shalt  }
0x63: {  	_ =	shalt  }
0x64: {  	_ =	shalt  }
0x65: {  	_ =	shalt  }
0x66: {  	_ =	shalt  }
0x67: {  	_ =	shalt  }
0x68: {  	_ =	shalt  }
0x69: {  	_ =	shalt  }
0x6a: {  	_ =	shalt  }
0x6b: {  	_ =	shalt  }
0x6c: {  	_ =	shalt  }
0x6d: {  	_ =	shalt  }
0x6e: {  	_ =	shalt  }
0x6f: {  	_ =	shalt  }
0x70: {  	_ =	shalt  }
0x71: {  	_ =	shalt  }
0x72: {  	_ =	shalt  }
0x73: {  	_ =	shalt  }
0x74: {  	_ =	shalt  }
0x75: {  	_ =	shalt  }
0x76: {  	_ =	shalt  }
0x77: {  	_ =	shalt  }
0x78: {  	_ =	shalt  }
0x79: {  	_ =	shalt  }
0x7a: {  	_ =	shalt  }
0x7b: {  	_ =	shalt  }
0x7c: {  	_ =	shalt  }
0x7d: {  	_ =	shalt  }
0x7e: {  	_ =	shalt  }
0x7f: {  	_ =	shalt  }
0x80: {  	_ =	shalt  }
0x81: {  	_ =	shalt  }
0x82: {  	_ =	shalt  }
0x83: {  	_ =	shalt  }
0x84: {  	_ =	shalt  }
0x85: {  	_ =	shalt  }
0x86: {  	_ =	shalt  }
0x87: {  	_ =	shalt  }
.Lfunc_end0:
.L_simem_size_0:
called_computation.1_lowered:
.L_overlay_start_0:
0x88: {  	s2 =	sld [smem:$0x3FD9]  }
0x89: {  	s3 =	sld [smem:$0x3FFE];
	_ =	sdelay $0x1  }
0x8a: {  	s1 =	srdreg.scid  }
0x8b: {  	s0 =	sand.u32 $0x1, s1  }
0x8c: {  	s14 =	sshll.u32 s0, $0xA;
	s2 =	sadd.s32 s3, s2  }
0x8d: {  	s2 =	sadd.s32 s2, s14  }
0x8e: {  	[smem:$0x3FC6] =	sst s2  }
0x8f: {  	_ = 	snop  }
0x90: {  	s2 =	sld [smem:$0x3FD0];
	_ =	sdelay $0x2  }
0x91: {  	s15 =	simm.s32 $0xA;
	s4 =	simm.s32 $0x10  }
0x92: {  	[smem:s4], [sflag:s15] =	dma.local [hbm:s2], $0x1  }
0x93: {  	_ =	swait.eq [sflag:s15], $0x1  }
0x94: {  	[sflag:s15] =	ssyncset.done $0x0  }
0x95: {  	[sflag:s15] =	ssyncadd.s32 $0xFFFFFFFF  }
0x96: {  	s16 =	sld [smem:$0x10];
	(tm) =	ssettm $0x1  }
0x97: {  	s17 =	sld [smem:$0x3FFB];
	_ =	sdelay $0x3  }
0x98: {  	_ =	strace s17  }
0x99: {  	s3 =	sld [smem:$0x3FFC];
	_ =	sdelay $0x3  }
0x9a: {  	_ =	strace s3  }
0x9b: {  	s3 =	sld [smem:$0x3FFD];
	_ =	sdelay $0x3  }
0x9c: {  	_ =	strace s3  }
0x9d: {  	_ =	strace $0x8FFFFFFF  }
0x9e: {  	s18 =	sld [smem:$0x3FDB];
	_ =	sdelay $0x1  }
0x9f: {  	s19 =	simm.s32 $_scs_section_size  }
0xa0: {  	s5 =	simm.s32 $_size__tile_overlayer_lowered;
	s6 =	simm.s32 $_tile_overlayer_lowered  }
0xa1: {  	s22 =	simm.s32 $0x1BFF;
	s21 =	sshll.u32 s6, $0x1;
	s3 =	sadd.s32 s19, s18  }
0xa2: {  	s7 =	simm.s32 $0x0;
	s20 =	sshll.u32 s5, $0x1;
	s5 =	sadd.s32 s21, s3  }
0xa3: {  	[timem:s7], [sflag:s22] =	dma.local [hbm:s5], s20  }
0xa4: {  	_ =	swait.ge [sflag:s22], s20  }
0xa5: {  	s4 =	ssub.s32 $0x0, s20;
	[sflag:s22] =	ssyncset.done $0x0  }
0xa6: {  	[sflag:s22] =	ssyncadd.s32 s4;
	_ =	sdelay $0x1  }
0xa7: {  	s23 =	simm.s32 $0x1B8B  }
0xa8: {  	_ =	swait.ge [sflag:s23], $0x1  }
0xa9: {  	[sflag:s23] =	ssyncset.done $0x0  }
0xaa: {  	s25 =	simm.s32 $0x1B8E;
	s24 =	sld [smem:$0x3FFE];
	[sflag:s23] =	ssyncadd.s32 $0xFFFFFFFF  }
0xab: {  	s26 =	simm.s32 $execute0_lowered;
	[smem:$0x3FD2] =	sst s25  }
0xac: {  	s5 =	sshll.u32 s26, $0x1;
	_ =	strace $0x80000046;
	[dreg:$0x1] =	wrdreg $0xFFFFFFFF  }
0xad: {  	s28 =	simm.s32 $_size_execute0_lowered;
	s3 =	sadd.s32 s3, s5;
	[dreg:$0x0] =	wrdreg $0x0  }
0xae: {  	s5 =	sshll.u32 s28, $0x1;
	[dreg:$0x2] =	wrdreg s3  }
0xaf: {  	[dreg:$0x3] =	wrdreg s5  }
0xb0: {  	[dreg:$0x4] =	wrdreg $0xC0  }
0xb1: {  	_ =	task [dreg:s7], $0x5FFFF  }
0xb2: {  	[dreg:$0x1] =	wrdreg $0xFFFFFFFF  }
0xb3: {  	[dreg:$0x0] =	wrdreg $0x60  }
0xb4: {  	[dreg:$0x2] =	wrdreg s24  }
0xb5: {  	[dreg:$0x3] =	wrdreg s16  }
0xb6: {  	[dreg:$0x4] =	wrdreg $0x9  }
0xb7: {  	_ =	task.clear_ibuf [dreg:s7], $0x5FFFF;
	_ =	strace $0x90000046  }
0xb8: {  	s29 =	simm.s32 $0x9;
	_ =	strace $0x80000048  }
0xb9: {  	_ =	swait.ge [sflag:s29], $0x1  }
0xba: {  	[sflag:s29] =	ssyncadd.s32 $0xFFFFFFFF  }
0xbb: {  	_ =	strace $0x90000048  }
0xbc: {  	_ =	sfence  }
0xbd: {  	s30 =	sld [smem:$0x0];
	_ =	sdelay $0x2  }
0xbe: {  	s31 =	sshll.u32 s1, $0xD;
	s1 =	sshrl.u32 s1, $0x2  }
0xbf: {  	s3 =	sand.u32 $0x4000, s31;
	s1 =	sadd.s32 s1, s30  }
0xc0: {  	s0 =	sor.u32 s3, s0;
	s1 =	sshll.u32 s1, $0x11  }
0xc1: {  	s0 =	sor.u32 s1, s0  }
0xc2: {  	s0 =	sadd.s32 $0x8F2B, s0  }
0xc3: {  	[sflag:s0] =	ssyncadd.remote.s32 $0x1  }
0xc4: {  	_ =	sfence.sel $0xFFFF  }
0xc5: {  	[dreg:$0x0] =	wrdreg $0xFFFFFFFF;
	(pc) =	sbr.abs _section_cstart, $3  }
0xc6: {  	[dreg:$0x1] =	wrdreg $0xFFFFFFFF  }
0xc7: {  	_ =	task.clear_ibuf [dreg:s7], $0x2FFFF;
	_ =	strace $0x9FFFFFFF  }
0xc8: {  	(tm) =	ssettm $0x7FFFFFFF  }
0xc9: {  	_ =	shalt  }
tec
execute0_lowered:
.L_overlay_start_1:
0x0: {  	(tag) =	ssettag $0x1  }
0x1: {  	s0 =	rddreg [dreg:$0x0];
	s1 =	srdreg.scid  }
0x2: {  	s10 =	stileid.u32;
	s4 =	rddreg [dreg:$0x1];
	s2 =	simm.s32 $0x0  }
0x3: {  	s17 =	simm.s32 $0x4400;
	s19 =	simm.s32 $0x5400;
	s21 =	simm.s32 $0x6400  }
0x4: {  	s12 =	simm.s32 $0xA400;
	s20 =	simm.s32 $0xB400;
	s28 =	simm.s32 $0xD400  }
0x5: {  	s18 =	simm.s32 $0xF400;
	s16 =	simm.s32 $0x10400;
	s14 =	simm.s32 $0x12400  }
0x6: {  	s29 =	simm.s32 $0x13400;
	s22 =	simm.s32 $0x14400;
	s31 =	simm.s32 $0x19400  }
0x7: {  	s11 =	simm.s32 $0x3;
	s13 =	simm.s32 $0x4;
	s6 =	smul.u32 $0x6800, s10  }
0x8: {  	s1 =	sand.u32 $0x1, s1;
	s3 =	sshll.u32 s10, $0x1;
	s25 =	smul.u32 $0x1A000, s10  }
0x9: {  	[smem:$0x7FF] =	sst s2;
	s2 =	simm.s32 $0x18400;
	s8 =	smul.u32 $0x3400, s1  }
0xa: {  	s5 =	sor.u32 s1, s3;
	s7 =	ssub.s32 $0x2, s1;
	s1 =	smul.u32 $0xD000, s1  }
0xb: {  	s10 =	simm.s32 $0x0;
	_ =	strace $0x80000047;
	s3 =	smul.u32 $0x3400, s5  }
0xc: {  	s23 =	sshrl.u32 s7, $0x1;
	s5 =	smul.u32 $0x68000, s5;
	s6 =	sadd.s32 s8, s6  }
0xd: {  	s8 =	simm.s32 $0x2;
	s3 =	sshrl.u32 s3, $0x3;
	s6 =	sshll.u32 s6, $0x2  }
0xe: {  	s5 =	sshrl.u32 s5, $0x3;
	s9 =	sadd.s32 s3, s0;
	s3 =	sadd.s32 $0xF42E00, s0  }
0xf: {  	s0 =	ssub.s32 s7, s23;
	s6 =	sadd.s32 s4, s6;
	s5 =	sadd.s32 s4, s5  }
0x10: {  	s4 =	sadd.s32 s25, s4;
	s23 =	simm.s32 $0x7400;
	s24 =	sadd.s32 $0xA00, s9  }
0x11: {  	s25 =	simm.s32 $0x8400;
	s26 =	sadd.s32 $0x9C00, s5;
	[dreg:$0x5] =	wrdreg s24  }
0x12: {  	s7 =	simm.s32 $0x1;
	s6 =	sadd.s32 $0x1A00, s6;
	[dreg:$0x6] =	wrdreg s26  }
0x13: {  	s1 =	sadd.s32 s1, s4;
	s30 =	sadd.s32 $0xB600, s5;
	[dreg:$0x3] =	wrdreg s6  }
0x14: {  	s0 =	smax.u32 s0, $0x1;
	s9 =	simm.s32 $0x80;
	[dreg:$0x7] =	wrdreg s30  }
0x15: {  	s4 =	simm.s32 $0x15400;
	s5 =	simm.s32 $0x16400;
	[dreg:$0x8] =	wrdreg s0  }
0x16: {  	[dreg:$0x4] =	wrdreg s1;
	s1 =	simm.s32 $0x9400;
	s24 =	simm.s32 $0xC400  }
0x17: {  	s0 =	simm.s32 $0xE400;
	s26 =	simm.s32 $0x11400;
	s6 =	simm.s32 $0x17400  }
.LBB2_1:
0x18: {  	[dreg:$0x9] =	wrdreg s10  }
0x19: {  	s15 =	rddreg [dreg:$0x5];
	s30 =	simm.s32 $0x0;
	s10 =	simm.s32 $0x5  }
0x1a: {  	[tilespmem:s30], [sflag:$0x5] =	stream.linear.gather [hbm4b:s15+s30], $0x3400, $0x38;
	[tilespmem:$0x1D400] =	vst v63  }
0x1b: {  	_ =	swait.ge [sflag:s10], $0x3400  }
0x1c: {  	[sflag:s10] =	ssyncset.done $0x0  }
0x1d: {  	s15 =	simm.s32 $0x3400;
	[sflag:s10] =	ssyncadd.s32 $0xFFFFCC00  }
0x1e: {  	[tilespmem:s15], [sflag:$0x1] =	stream.indirect.gather [hbm4b:s3+s9], $0x20, s30, s9, $0xb8;
	[tilespmem:$0x1D400] =	vst v63  }
0x1f: {  	_ = 	snop  }
0x20: {  	[tilespmem:s17], [sflag:$0x1] =	stream.indirect.gather [hbm4b:s3+s9], $0x20, s9, s9, $0xb8;
	[tilespmem:$0x1D400] =	vst v63  }
0x21: {  	s10 =	simm.s32 $0x100  }
0x22: {  	[tilespmem:s19], [sflag:$0x1] =	stream.indirect.gather [hbm4b:s3+s9], $0x20, s10, s9, $0xb8;
	[tilespmem:$0x1D400] =	vst v63  }
0x23: {  	s10 =	simm.s32 $0x180  }
0x24: {  	[tilespmem:s21], [sflag:$0x1] =	stream.indirect.gather [hbm4b:s3+s9], $0x20, s10, s9, $0xb8;
	[tilespmem:$0x1D400] =	vst v63  }
0x25: {  	s10 =	simm.s32 $0x200  }
0x26: {  	[tilespmem:s23], [sflag:$0x1] =	stream.indirect.gather [hbm4b:s3+s9], $0x20, s10, s9, $0xb8;
	[tilespmem:$0x1D400] =	vst v63  }
0x27: {  	s10 =	simm.s32 $0x280  }
0x28: {  	[tilespmem:s25], [sflag:$0x1] =	stream.indirect.gather [hbm4b:s3+s9], $0x20, s10, s9, $0xb8;
	[tilespmem:$0x1D400] =	vst v63  }
0x29: {  	s10 =	simm.s32 $0x300  }
0x2a: {  	[tilespmem:s1], [sflag:$0x1] =	stream.indirect.gather [hbm4b:s3+s9], $0x20, s10, s9, $0xb8;
	[tilespmem:$0x1D400] =	vst v63  }
0x2b: {  	s10 =	simm.s32 $0x380  }
0x2c: {  	[tilespmem:s12], [sflag:$0x1] =	stream.indirect.gather [hbm4b:s3+s9], $0x20, s10, s9, $0xb8;
	[tilespmem:$0x1D400] =	vst v63  }
0x2d: {  	s10 =	simm.s32 $0x400  }
0x2e: {  	[tilespmem:s20], [sflag:$0x1] =	stream.indirect.gather [hbm4b:s3+s9], $0x20, s10, s9, $0xb8;
	[tilespmem:$0x1D400] =	vst v63  }
0x2f: {  	s10 =	simm.s32 $0x480  }
0x30: {  	[tilespmem:s24], [sflag:$0x1] =	stream.indirect.gather [hbm4b:s3+s9], $0x20, s10, s9, $0xb8;
	[tilespmem:$0x1D400] =	vst v63  }
0x31: {  	s10 =	simm.s32 $0x500  }
0x32: {  	[tilespmem:s28], [sflag:$0x1] =	stream.indirect.gather [hbm4b:s3+s9], $0x20, s10, s9, $0xb8;
	[tilespmem:$0x1D400] =	vst v63  }
0x33: {  	s10 =	simm.s32 $0x580  }
0x34: {  	[tilespmem:s0], [sflag:$0x1] =	stream.indirect.gather [hbm4b:s3+s9], $0x20, s10, s9, $0xb8;
	[tilespmem:$0x1D400] =	vst v63  }
0x35: {  	s10 =	simm.s32 $0x600  }
0x36: {  	[tilespmem:s18], [sflag:$0x1] =	stream.indirect.gather [hbm4b:s3+s9], $0x20, s10, s9, $0xb8;
	[tilespmem:$0x1D400] =	vst v63  }
0x37: {  	s10 =	simm.s32 $0x680  }
0x38: {  	[tilespmem:s16], [sflag:$0x2] =	stream.indirect.gather [hbm4b:s3+s9], $0x20, s10, s9, $0xb8;
	[tilespmem:$0x1D400] =	vst v63  }
0x39: {  	s10 =	simm.s32 $0x700  }
0x3a: {  	[tilespmem:s26], [sflag:$0x2] =	stream.indirect.gather [hbm4b:s3+s9], $0x20, s10, s9, $0xb8;
	[tilespmem:$0x1D400] =	vst v63  }
0x3b: {  	s10 =	simm.s32 $0x780  }
0x3c: {  	[tilespmem:s14], [sflag:$0x2] =	stream.indirect.gather [hbm4b:s3+s9], $0x20, s10, s9, $0xb8;
	[tilespmem:$0x1D400] =	vst v63  }
0x3d: {  	s10 =	simm.s32 $0x800  }
0x3e: {  	[tilespmem:s29], [sflag:$0x2] =	stream.indirect.gather [hbm4b:s3+s9], $0x20, s10, s9, $0xb8;
	[tilespmem:$0x1D400] =	vst v63  }
0x3f: {  	s10 =	simm.s32 $0x880  }
0x40: {  	[tilespmem:s22], [sflag:$0x2] =	stream.indirect.gather [hbm4b:s3+s9], $0x20, s10, s9, $0xb8;
	[tilespmem:$0x1D400] =	vst v63  }
0x41: {  	s10 =	simm.s32 $0x900  }
0x42: {  	[tilespmem:s4], [sflag:$0x2] =	stream.indirect.gather [hbm4b:s3+s9], $0x20, s10, s9, $0xb8;
	[tilespmem:$0x1D400] =	vst v63  }
0x43: {  	s10 =	simm.s32 $0x980  }
0x44: {  	[tilespmem:s5], [sflag:$0x2] =	stream.indirect.gather [hbm4b:s3+s9], $0x20, s10, s9, $0xb8;
	[tilespmem:$0x1D400] =	vst v63  }
0x45: {  	s10 =	simm.s32 $0xA00  }
0x46: {  	[tilespmem:s6], [sflag:$0x2] =	stream.indirect.gather [hbm4b:s3+s9], $0x20, s10, s9, $0xb8;
	[tilespmem:$0x1D400] =	vst v63  }
0x47: {  	s10 =	simm.s32 $0xA80  }
0x48: {  	[tilespmem:s2], [sflag:$0x2] =	stream.indirect.gather [hbm4b:s3+s9], $0x20, s10, s9, $0xb8;
	[tilespmem:$0x1D400] =	vst v63  }
0x49: {  	s10 =	simm.s32 $0xB00  }
0x4a: {  	[tilespmem:s31], [sflag:$0x2] =	stream.indirect.gather [hbm4b:s3+s9], $0x20, s10, s9, $0xb8;
	[tilespmem:$0x1D400] =	vst v63  }
0x4b: {  	s15 =	simm.s32 $0xB80;
	s10 =	simm.s32 $0x1A400  }
0x4c: {  	[tilespmem:s10], [sflag:$0x2] =	stream.indirect.gather [hbm4b:s3+s9], $0x20, s15, s9, $0xb8;
	[tilespmem:$0x1D400] =	vst v63  }
0x4d: {  	s10 =	simm.s32 $0x1B400;
	s15 =	simm.s32 $0xC00  }
0x4e: {  	[tilespmem:s10], [sflag:$0x2] =	stream.indirect.gather [hbm4b:s3+s9], $0x20, s15, s9, $0xb8;
	[tilespmem:$0x1D400] =	vst v63  }
0x4f: {  	s15 =	simm.s32 $0x1C400;
	s10 =	simm.s32 $0xC80  }
0x50: {  	[tilespmem:s15], [sflag:$0x2] =	stream.indirect.gather [hbm4b:s3+s9], $0x20, s10, s9, $0xb8;
	[tilespmem:$0x1D400] =	vst v63  }
0x51: {  	_ =	swait.ge [sflag:s7], $0x1000  }
0x52: {  	[sflag:s7] =	ssyncset.done $0x0  }
0x53: {  	[sflag:s7] =	ssyncadd.s32 $0xFFFFF000  }
0x54: {  	_ =	swait.ge [sflag:s7], $0x1000  }
0x55: {  	[sflag:s7] =	ssyncset.done $0x0  }
0x56: {  	[sflag:s7] =	ssyncadd.s32 $0xFFFFF000  }
0x57: {  	_ =	swait.ge [sflag:s7], $0x1000  }
0x58: {  	[sflag:s7] =	ssyncset.done $0x0  }
0x59: {  	[sflag:s7] =	ssyncadd.s32 $0xFFFFF000  }
0x5a: {  	_ =	swait.ge [sflag:s7], $0x1000  }
0x5b: {  	[sflag:s7] =	ssyncset.done $0x0  }
0x5c: {  	[sflag:s7] =	ssyncadd.s32 $0xFFFFF000  }
0x5d: {  	_ =	swait.ge [sflag:s7], $0x1000  }
0x5e: {  	[sflag:s7] =	ssyncset.done $0x0  }
0x5f: {  	[sflag:s7] =	ssyncadd.s32 $0xFFFFF000  }
0x60: {  	_ =	swait.ge [sflag:s7], $0x1000  }
0x61: {  	[sflag:s7] =	ssyncset.done $0x0  }
0x62: {  	[sflag:s7] =	ssyncadd.s32 $0xFFFFF000  }
0x63: {  	_ =	swait.ge [sflag:s7], $0x1000  }
0x64: {  	[sflag:s7] =	ssyncset.done $0x0  }
0x65: {  	[sflag:s7] =	ssyncadd.s32 $0xFFFFF000  }
0x66: {  	_ =	swait.ge [sflag:s7], $0x1000  }
0x67: {  	[sflag:s7] =	ssyncset.done $0x0  }
0x68: {  	[sflag:s7] =	ssyncadd.s32 $0xFFFFF000  }
0x69: {  	_ =	swait.ge [sflag:s7], $0x1000  }
0x6a: {  	[sflag:s7] =	ssyncset.done $0x0  }
0x6b: {  	[sflag:s7] =	ssyncadd.s32 $0xFFFFF000  }
0x6c: {  	_ =	swait.ge [sflag:s7], $0x1000  }
0x6d: {  	[sflag:s7] =	ssyncset.done $0x0  }
0x6e: {  	[sflag:s7] =	ssyncadd.s32 $0xFFFFF000  }
0x6f: {  	_ =	swait.ge [sflag:s7], $0x1000  }
0x70: {  	[sflag:s7] =	ssyncset.done $0x0  }
0x71: {  	[sflag:s7] =	ssyncadd.s32 $0xFFFFF000  }
0x72: {  	_ =	swait.ge [sflag:s7], $0x1000  }
0x73: {  	[sflag:s7] =	ssyncset.done $0x0  }
0x74: {  	[sflag:s7] =	ssyncadd.s32 $0xFFFFF000  }
0x75: {  	_ =	swait.ge [sflag:s7], $0x1000  }
0x76: {  	s10 =	rddreg [dreg:$0x4];
	[sflag:s7] =	ssyncset.done $0x0  }
0x77: {  	[sflag:s7] =	ssyncadd.s32 $0xFFFFF000;
	s15 =	sadd.s32 $0x0, s10;
	s10 =	simm.s32 $0x3400  }
0x78: {  	[hbm4b:s15+s30] =	stream.linear.scatter [tilespmem:s10], [sflag:$0x3], $0xD000, $0x38;
	[tilespmem:$0x1D400] =	vst v63  }
0x79: {  	_ =	swait.ge [sflag:s8], $0x1000  }
0x7a: {  	[sflag:s8] =	ssyncset.done $0x0  }
0x7b: {  	[sflag:s8] =	ssyncadd.s32 $0xFFFFF000  }
0x7c: {  	_ =	swait.ge [sflag:s8], $0x1000  }
0x7d: {  	[sflag:s8] =	ssyncset.done $0x0  }
0x7e: {  	[sflag:s8] =	ssyncadd.s32 $0xFFFFF000  }
0x7f: {  	_ =	swait.ge [sflag:s8], $0x1000  }
0x80: {  	[sflag:s8] =	ssyncset.done $0x0  }
0x81: {  	[sflag:s8] =	ssyncadd.s32 $0xFFFFF000  }
0x82: {  	_ =	swait.ge [sflag:s8], $0x1000  }
0x83: {  	[sflag:s8] =	ssyncset.done $0x0  }
0x84: {  	[sflag:s8] =	ssyncadd.s32 $0xFFFFF000  }
0x85: {  	_ =	swait.ge [sflag:s8], $0x1000  }
0x86: {  	[sflag:s8] =	ssyncset.done $0x0  }
0x87: {  	[sflag:s8] =	ssyncadd.s32 $0xFFFFF000  }
0x88: {  	_ =	swait.ge [sflag:s8], $0x1000  }
0x89: {  	[sflag:s8] =	ssyncset.done $0x0  }
0x8a: {  	[sflag:s8] =	ssyncadd.s32 $0xFFFFF000  }
0x8b: {  	_ =	swait.ge [sflag:s8], $0x1000  }
0x8c: {  	[sflag:s8] =	ssyncset.done $0x0  }
0x8d: {  	[sflag:s8] =	ssyncadd.s32 $0xFFFFF000  }
0x8e: {  	_ =	swait.ge [sflag:s8], $0x1000  }
0x8f: {  	[sflag:s8] =	ssyncset.done $0x0  }
0x90: {  	[sflag:s8] =	ssyncadd.s32 $0xFFFFF000  }
0x91: {  	_ =	swait.ge [sflag:s8], $0x1000  }
0x92: {  	[sflag:s8] =	ssyncset.done $0x0  }
0x93: {  	[sflag:s8] =	ssyncadd.s32 $0xFFFFF000  }
0x94: {  	_ =	swait.ge [sflag:s8], $0x1000  }
0x95: {  	[sflag:s8] =	ssyncset.done $0x0  }
0x96: {  	[sflag:s8] =	ssyncadd.s32 $0xFFFFF000  }
0x97: {  	_ =	swait.ge [sflag:s8], $0x1000  }
0x98: {  	[sflag:s8] =	ssyncset.done $0x0  }
0x99: {  	[sflag:s8] =	ssyncadd.s32 $0xFFFFF000  }
0x9a: {  	_ =	swait.ge [sflag:s8], $0x1000  }
0x9b: {  	[sflag:s8] =	ssyncset.done $0x0  }
0x9c: {  	[sflag:s8] =	ssyncadd.s32 $0xFFFFF000  }
0x9d: {  	_ =	swait.ge [sflag:s8], $0x1000  }
0x9e: {  	s15 =	rddreg [dreg:$0x3];
	[sflag:s8] =	ssyncset.done $0x0  }
0x9f: {  	[sflag:s8] =	ssyncadd.s32 $0xFFFFF000;
	s15 =	sadd.s32 $0x0, s15  }
0xa0: {  	[hbm4b:s15+s30] =	stream.linear.scatter [tilespmem:s16], [sflag:$0x4], $0xD000, $0x38;
	[tilespmem:$0x1D400] =	vst v63  }
0xa1: {  	_ =	swait.ge [sflag:s11], $0xD000  }
0xa2: {  	[sflag:s11] =	ssyncset.done $0x0  }
0xa3: {  	s15 =	simm.s32 $0xD00;
	[sflag:s11] =	ssyncadd.s32 $0xFFFF3000  }
0xa4: {  	[tilespmem:s10], [sflag:$0x1] =	stream.indirect.gather [hbm4b:s3+s9], $0x20, s15, s9, $0xb8;
	[tilespmem:$0x1D400] =	vst v63  }
0xa5: {  	s10 =	simm.s32 $0xD80  }
0xa6: {  	[tilespmem:s17], [sflag:$0x1] =	stream.indirect.gather [hbm4b:s3+s9], $0x20, s10, s9, $0xb8;
	[tilespmem:$0x1D400] =	vst v63  }
0xa7: {  	s17 =	simm.s32 $0xE00  }
0xa8: {  	[tilespmem:s19], [sflag:$0x1] =	stream.indirect.gather [hbm4b:s3+s9], $0x20, s17, s9, $0xb8;
	[tilespmem:$0x1D400] =	vst v63  }
0xa9: {  	s19 =	simm.s32 $0xE80  }
0xaa: {  	[tilespmem:s21], [sflag:$0x1] =	stream.indirect.gather [hbm4b:s3+s9], $0x20, s19, s9, $0xb8;
	[tilespmem:$0x1D400] =	vst v63  }
0xab: {  	s21 =	simm.s32 $0xF00  }
0xac: {  	[tilespmem:s23], [sflag:$0x1] =	stream.indirect.gather [hbm4b:s3+s9], $0x20, s21, s9, $0xb8;
	[tilespmem:$0x1D400] =	vst v63  }
0xad: {  	s10 =	simm.s32 $0xF80  }
0xae: {  	[tilespmem:s25], [sflag:$0x1] =	stream.indirect.gather [hbm4b:s3+s9], $0x20, s10, s9, $0xb8;
	[tilespmem:$0x1D400] =	vst v63  }
0xaf: {  	s17 =	simm.s32 $0x1000  }
0xb0: {  	[tilespmem:s1], [sflag:$0x1] =	stream.indirect.gather [hbm4b:s3+s9], $0x20, s17, s9, $0xb8;
	[tilespmem:$0x1D400] =	vst v63  }
0xb1: {  	s19 =	simm.s32 $0x1080  }
0xb2: {  	[tilespmem:s12], [sflag:$0x1] =	stream.indirect.gather [hbm4b:s3+s9], $0x20, s19, s9, $0xb8;
	[tilespmem:$0x1D400] =	vst v63  }
0xb3: {  	s21 =	simm.s32 $0x1100  }
0xb4: {  	[tilespmem:s20], [sflag:$0x1] =	stream.indirect.gather [hbm4b:s3+s9], $0x20, s21, s9, $0xb8;
	[tilespmem:$0x1D400] =	vst v63  }
0xb5: {  	s23 =	simm.s32 $0x1180  }
0xb6: {  	[tilespmem:s24], [sflag:$0x1] =	stream.indirect.gather [hbm4b:s3+s9], $0x20, s23, s9, $0xb8;
	[tilespmem:$0x1D400] =	vst v63  }
0xb7: {  	s24 =	simm.s32 $0x1200  }
0xb8: {  	[tilespmem:s28], [sflag:$0x1] =	stream.indirect.gather [hbm4b:s3+s9], $0x20, s24, s9, $0xb8;
	[tilespmem:$0x1D400] =	vst v63  }
0xb9: {  	s25 =	simm.s32 $0x1280  }
0xba: {  	[tilespmem:s0], [sflag:$0x1] =	stream.indirect.gather [hbm4b:s3+s9], $0x20, s25, s9, $0xb8;
	[tilespmem:$0x1D400] =	vst v63  }
0xbb: {  	s0 =	simm.s32 $0x1300  }
0xbc: {  	[tilespmem:s18], [sflag:$0x1] =	stream.indirect.gather [hbm4b:s3+s9], $0x20, s0, s9, $0xb8;
	[tilespmem:$0x1D400] =	vst v63  }
0xbd: {  	_ =	swait.ge [sflag:s13], $0xD000  }
0xbe: {  	[sflag:s13] =	ssyncset.done $0x0  }
0xbf: {  	s1 =	simm.s32 $0x1380;
	[sflag:s13] =	ssyncadd.s32 $0xFFFF3000  }
0xc0: {  	[tilespmem:s16], [sflag:$0x2] =	stream.indirect.gather [hbm4b:s3+s9], $0x20, s1, s9, $0xb8;
	[tilespmem:$0x1D400] =	vst v63  }
0xc1: {  	s10 =	simm.s32 $0x1400  }
0xc2: {  	[tilespmem:s26], [sflag:$0x2] =	stream.indirect.gather [hbm4b:s3+s9], $0x20, s10, s9, $0xb8;
	[tilespmem:$0x1D400] =	vst v63  }
0xc3: {  	s30 =	simm.s32 $0x8400;
	s15 =	simm.s32 $0x3400;
	s12 =	simm.s32 $0x1480  }
0xc4: {  	[tilespmem:s14], [sflag:$0x2] =	stream.indirect.gather [hbm4b:s3+s9], $0x20, s12, s9, $0xb8;
	[tilespmem:$0x1D400] =	vst v63  }
0xc5: {  	s17 =	simm.s32 $0x1580;
	s19 =	simm.s32 $0x1680;
	s14 =	simm.s32 $0x1500  }
0xc6: {  	[tilespmem:s29], [sflag:$0x2] =	stream.indirect.gather [hbm4b:s3+s9], $0x20, s14, s9, $0xb8;
	[tilespmem:$0x1D400] =	vst v63  }
0xc7: {  	s20 =	simm.s32 $0x1700;
	s21 =	simm.s32 $0x1780;
	s23 =	simm.s32 $0x1880  }
0xc8: {  	[tilespmem:s22], [sflag:$0x2] =	stream.indirect.gather [hbm4b:s3+s9], $0x20, s17, s9, $0xb8;
	[tilespmem:$0x1D400] =	vst v63  }
0xc9: {  	s24 =	simm.s32 $0x1A400;
	s28 =	simm.s32 $0x7400;
	s18 =	simm.s32 $0x1600  }
0xca: {  	[tilespmem:s4], [sflag:$0x2] =	stream.indirect.gather [hbm4b:s3+s9], $0x20, s18, s9, $0xb8;
	[tilespmem:$0x1D400] =	vst v63  }
0xcb: {  	s25 =	simm.s32 $0x1900;
	s0 =	simm.s32 $0xE400;
	s1 =	simm.s32 $0x9400  }
0xcc: {  	[tilespmem:s5], [sflag:$0x2] =	stream.indirect.gather [hbm4b:s3+s9], $0x20, s19, s9, $0xb8;
	[tilespmem:$0x1D400] =	vst v63  }
0xcd: {  	s26 =	simm.s32 $0x1B400;
	s12 =	simm.s32 $0xA400;
	s14 =	simm.s32 $0x12400  }
0xce: {  	[tilespmem:s6], [sflag:$0x2] =	stream.indirect.gather [hbm4b:s3+s9], $0x20, s20, s9, $0xb8;
	[tilespmem:$0x1D400] =	vst v63  }
0xcf: {  	s29 =	simm.s32 $0xD400;
	s22 =	simm.s32 $0x1800;
	s17 =	simm.s32 $0x1980  }
0xd0: {  	[tilespmem:s2], [sflag:$0x2] =	stream.indirect.gather [hbm4b:s3+s9], $0x20, s21, s9, $0xb8;
	[tilespmem:$0x1D400] =	vst v63  }
0xd1: {  	s4 =	simm.s32 $0x15400;
	s18 =	simm.s32 $0xF400;
	s5 =	simm.s32 $0x16400  }
0xd2: {  	[tilespmem:s31], [sflag:$0x2] =	stream.indirect.gather [hbm4b:s3+s9], $0x20, s22, s9, $0xb8;
	[tilespmem:$0x1D400] =	vst v63  }
0xd3: {  	s6 =	simm.s32 $0x17400;
	s20 =	simm.s32 $0xB400;
	s2 =	simm.s32 $0x18400  }
0xd4: {  	[tilespmem:s24], [sflag:$0x2] =	stream.indirect.gather [hbm4b:s3+s9], $0x20, s23, s9, $0xb8;
	[tilespmem:$0x1D400] =	vst v63  }
0xd5: {  	s21 =	simm.s32 $0x4400;
	s31 =	simm.s32 $0x13400;
	s24 =	simm.s32 $0xC400  }
0xd6: {  	[tilespmem:s26], [sflag:$0x2] =	stream.indirect.gather [hbm4b:s3+s9], $0x20, s25, s9, $0xb8;
	[tilespmem:$0x1D400] =	vst v63  }
0xd7: {  	s23 =	simm.s32 $0x5400;
	s26 =	simm.s32 $0x11400;
	s25 =	simm.s32 $0x19400  }
.LBB2_2:
0xd8: {  	s10 =	simm.s32 $0x1C400  }
0xd9: {  	[tilespmem:s10], [sflag:$0x2] =	stream.indirect.gather [hbm4b:s3+s9], $0x20, s17, s9, $0xb8;
	[tilespmem:$0x1D400] =	vst v63  }
0xda: {  	_ =	swait.ge [sflag:s7], $0x1000  }
0xdb: {  	[sflag:s7] =	ssyncset.done $0x0  }
0xdc: {  	[sflag:s7] =	ssyncadd.s32 $0xFFFFF000  }
0xdd: {  	_ =	swait.ge [sflag:s7], $0x1000  }
0xde: {  	[sflag:s7] =	ssyncset.done $0x0  }
0xdf: {  	[sflag:s7] =	ssyncadd.s32 $0xFFFFF000  }
0xe0: {  	_ =	swait.ge [sflag:s7], $0x1000  }
0xe1: {  	[sflag:s7] =	ssyncset.done $0x0  }
0xe2: {  	[sflag:s7] =	ssyncadd.s32 $0xFFFFF000  }
0xe3: {  	_ =	swait.ge [sflag:s7], $0x1000  }
0xe4: {  	[sflag:s7] =	ssyncset.done $0x0  }
0xe5: {  	[sflag:s7] =	ssyncadd.s32 $0xFFFFF000  }
0xe6: {  	_ =	swait.ge [sflag:s7], $0x1000  }
0xe7: {  	[sflag:s7] =	ssyncset.done $0x0  }
0xe8: {  	[sflag:s7] =	ssyncadd.s32 $0xFFFFF000  }
0xe9: {  	_ =	swait.ge [sflag:s7], $0x1000  }
0xea: {  	[sflag:s7] =	ssyncset.done $0x0  }
0xeb: {  	[sflag:s7] =	ssyncadd.s32 $0xFFFFF000  }
0xec: {  	_ =	swait.ge [sflag:s7], $0x1000  }
0xed: {  	[sflag:s7] =	ssyncset.done $0x0  }
0xee: {  	[sflag:s7] =	ssyncadd.s32 $0xFFFFF000  }
0xef: {  	_ =	swait.ge [sflag:s7], $0x1000  }
0xf0: {  	[sflag:s7] =	ssyncset.done $0x0  }
0xf1: {  	[sflag:s7] =	ssyncadd.s32 $0xFFFFF000  }
0xf2: {  	_ =	swait.ge [sflag:s7], $0x1000  }
0xf3: {  	[sflag:s7] =	ssyncset.done $0x0  }
0xf4: {  	[sflag:s7] =	ssyncadd.s32 $0xFFFFF000  }
0xf5: {  	_ =	swait.ge [sflag:s7], $0x1000  }
0xf6: {  	[sflag:s7] =	ssyncset.done $0x0  }
0xf7: {  	[sflag:s7] =	ssyncadd.s32 $0xFFFFF000  }
0xf8: {  	_ =	swait.ge [sflag:s7], $0x1000  }
0xf9: {  	[sflag:s7] =	ssyncset.done $0x0  }
0xfa: {  	[sflag:s7] =	ssyncadd.s32 $0xFFFFF000  }
0xfb: {  	_ =	swait.ge [sflag:s7], $0x1000  }
0xfc: {  	[sflag:s7] =	ssyncset.done $0x0  }
0xfd: {  	[sflag:s7] =	ssyncadd.s32 $0xFFFFF000  }
0xfe: {  	s22 =	simm.s32 $0x3400;
	_ =	swait.ge [sflag:s7], $0x1000  }
0xff: {  	s17 =	smov.u32 s15;
	s19 =	rddreg [dreg:$0x4];
	[sflag:s7] =	ssyncset.done $0x0  }
0x100: {  	s10 =	simm.s32 $0x0;
	[sflag:s7] =	ssyncadd.s32 $0xFFFFF000;
	s19 =	sadd.s32 s17, s19  }
0x101: {  	[hbm4b:s19+s10] =	stream.linear.scatter [tilespmem:s22], [sflag:$0x3], $0xD000, $0x38;
	[tilespmem:$0x1D400] =	vst v63  }
0x102: {  	_ =	swait.ge [sflag:s8], $0x1000  }
0x103: {  	[sflag:s8] =	ssyncset.done $0x0  }
0x104: {  	[sflag:s8] =	ssyncadd.s32 $0xFFFFF000  }
0x105: {  	_ =	swait.ge [sflag:s8], $0x1000  }
0x106: {  	[sflag:s8] =	ssyncset.done $0x0  }
0x107: {  	[sflag:s8] =	ssyncadd.s32 $0xFFFFF000  }
0x108: {  	_ =	swait.ge [sflag:s8], $0x1000  }
0x109: {  	[sflag:s8] =	ssyncset.done $0x0  }
0x10a: {  	[sflag:s8] =	ssyncadd.s32 $0xFFFFF000  }
0x10b: {  	_ =	swait.ge [sflag:s8], $0x1000  }
0x10c: {  	[sflag:s8] =	ssyncset.done $0x0  }
0x10d: {  	[sflag:s8] =	ssyncadd.s32 $0xFFFFF000  }
0x10e: {  	_ =	swait.ge [sflag:s8], $0x1000  }
0x10f: {  	[sflag:s8] =	ssyncset.done $0x0  }
0x110: {  	[sflag:s8] =	ssyncadd.s32 $0xFFFFF000  }
0x111: {  	_ =	swait.ge [sflag:s8], $0x1000  }
0x112: {  	[sflag:s8] =	ssyncset.done $0x0  }
0x113: {  	[sflag:s8] =	ssyncadd.s32 $0xFFFFF000  }
0x114: {  	_ =	swait.ge [sflag:s8], $0x1000  }
0x115: {  	[sflag:s8] =	ssyncset.done $0x0  }
0x116: {  	[sflag:s8] =	ssyncadd.s32 $0xFFFFF000  }
0x117: {  	_ =	swait.ge [sflag:s8], $0x1000  }
0x118: {  	[sflag:s8] =	ssyncset.done $0x0  }
0x119: {  	[sflag:s8] =	ssyncadd.s32 $0xFFFFF000  }
0x11a: {  	_ =	swait.ge [sflag:s8], $0x1000  }
0x11b: {  	[sflag:s8] =	ssyncset.done $0x0  }
0x11c: {  	[sflag:s8] =	ssyncadd.s32 $0xFFFFF000  }
0x11d: {  	_ =	swait.ge [sflag:s8], $0x1000  }
0x11e: {  	[sflag:s8] =	ssyncset.done $0x0  }
0x11f: {  	[sflag:s8] =	ssyncadd.s32 $0xFFFFF000  }
0x120: {  	_ =	swait.ge [sflag:s8], $0x1000  }
0x121: {  	[sflag:s8] =	ssyncset.done $0x0  }
0x122: {  	[sflag:s8] =	ssyncadd.s32 $0xFFFFF000  }
0x123: {  	_ =	swait.ge [sflag:s8], $0x1000  }
0x124: {  	[sflag:s8] =	ssyncset.done $0x0  }
0x125: {  	[sflag:s8] =	ssyncadd.s32 $0xFFFFF000  }
0x126: {  	_ =	swait.ge [sflag:s8], $0x1000  }
0x127: {  	s19 =	rddreg [dreg:$0x3];
	[sflag:s8] =	ssyncset.done $0x0  }
0x128: {  	[sflag:s8] =	ssyncadd.s32 $0xFFFFF000;
	s19 =	sadd.s32 s17, s19  }
0x129: {  	[hbm4b:s19+s10] =	stream.linear.scatter [tilespmem:s16], [sflag:$0x4], $0xD000, $0x38;
	[tilespmem:$0x1D400] =	vst v63  }
0x12a: {  	_ =	swait.ge [sflag:s11], $0xD000  }
0x12b: {  	s17 =	sshra.s32 s17, $0x2;
	[sflag:s11] =	ssyncset.done $0x0  }
0x12c: {  	s19 =	sadd.s32 $0xD00, s17;
	[sflag:s11] =	ssyncadd.s32 $0xFFFF3000  }
0x12d: {  	[tilespmem:s22], [sflag:$0x1] =	stream.indirect.gather [hbm4b:s3+s9], $0x20, s19, s9, $0xb8;
	[tilespmem:$0x1D400] =	vst v63  }
0x12e: {  	s22 =	sadd.s32 $0xD80, s17  }
0x12f: {  	[tilespmem:s21], [sflag:$0x1] =	stream.indirect.gather [hbm4b:s3+s9], $0x20, s22, s9, $0xb8;
	[tilespmem:$0x1D400] =	vst v63  }
0x130: {  	s22 =	sadd.s32 $0xE00, s17  }
0x131: {  	[tilespmem:s23], [sflag:$0x1] =	stream.indirect.gather [hbm4b:s3+s9], $0x20, s22, s9, $0xb8;
	[tilespmem:$0x1D400] =	vst v63  }
0x132: {  	s19 =	sadd.s32 $0xE80, s17;
	s22 =	simm.s32 $0x6400  }
0x133: {  	[tilespmem:s22], [sflag:$0x1] =	stream.indirect.gather [hbm4b:s3+s9], $0x20, s19, s9, $0xb8;
	[tilespmem:$0x1D400] =	vst v63  }
0x134: {  	s22 =	sadd.s32 $0xF00, s17  }
0x135: {  	[tilespmem:s28], [sflag:$0x1] =	stream.indirect.gather [hbm4b:s3+s9], $0x20, s22, s9, $0xb8;
	[tilespmem:$0x1D400] =	vst v63  }
0x136: {  	s22 =	sadd.s32 $0xF80, s17  }
0x137: {  	[tilespmem:s30], [sflag:$0x1] =	stream.indirect.gather [hbm4b:s3+s9], $0x20, s22, s9, $0xb8;
	[tilespmem:$0x1D400] =	vst v63  }
0x138: {  	s22 =	sadd.s32 $0x1000, s17  }
0x139: {  	[tilespmem:s1], [sflag:$0x1] =	stream.indirect.gather [hbm4b:s3+s9], $0x20, s22, s9, $0xb8;
	[tilespmem:$0x1D400] =	vst v63  }
0x13a: {  	s22 =	sadd.s32 $0x1080, s17  }
0x13b: {  	[tilespmem:s12], [sflag:$0x1] =	stream.indirect.gather [hbm4b:s3+s9], $0x20, s22, s9, $0xb8;
	[tilespmem:$0x1D400] =	vst v63  }
0x13c: {  	s22 =	sadd.s32 $0x1100, s17  }
0x13d: {  	[tilespmem:s20], [sflag:$0x1] =	stream.indirect.gather [hbm4b:s3+s9], $0x20, s22, s9, $0xb8;
	[tilespmem:$0x1D400] =	vst v63  }
0x13e: {  	s22 =	sadd.s32 $0x1180, s17  }
0x13f: {  	[tilespmem:s24], [sflag:$0x1] =	stream.indirect.gather [hbm4b:s3+s9], $0x20, s22, s9, $0xb8;
	[tilespmem:$0x1D400] =	vst v63  }
0x140: {  	s22 =	sadd.s32 $0x1200, s17  }
0x141: {  	[tilespmem:s29], [sflag:$0x1] =	stream.indirect.gather [hbm4b:s3+s9], $0x20, s22, s9, $0xb8;
	[tilespmem:$0x1D400] =	vst v63  }
0x142: {  	s22 =	sadd.s32 $0x1280, s17  }
0x143: {  	[tilespmem:s0], [sflag:$0x1] =	stream.indirect.gather [hbm4b:s3+s9], $0x20, s22, s9, $0xb8;
	[tilespmem:$0x1D400] =	vst v63  }
0x144: {  	s22 =	sadd.s32 $0x1300, s17  }
0x145: {  	[tilespmem:s18], [sflag:$0x1] =	stream.indirect.gather [hbm4b:s3+s9], $0x20, s22, s9, $0xb8;
	[tilespmem:$0x1D400] =	vst v63  }
0x146: {  	_ =	swait.ge [sflag:s13], $0xD000  }
0x147: {  	[sflag:s13] =	ssyncset.done $0x0  }
0x148: {  	s22 =	sadd.s32 $0x1380, s17;
	[sflag:s13] =	ssyncadd.s32 $0xFFFF3000  }
0x149: {  	[tilespmem:s16], [sflag:$0x2] =	stream.indirect.gather [hbm4b:s3+s9], $0x20, s22, s9, $0xb8;
	[tilespmem:$0x1D400] =	vst v63  }
0x14a: {  	s22 =	sadd.s32 $0x1400, s17  }
0x14b: {  	[tilespmem:s26], [sflag:$0x2] =	stream.indirect.gather [hbm4b:s3+s9], $0x20, s22, s9, $0xb8;
	[tilespmem:$0x1D400] =	vst v63  }
0x14c: {  	s22 =	sadd.s32 $0x1480, s17  }
0x14d: {  	[tilespmem:s14], [sflag:$0x2] =	stream.indirect.gather [hbm4b:s3+s9], $0x20, s22, s9, $0xb8;
	[tilespmem:$0x1D400] =	vst v63  }
0x14e: {  	s22 =	sadd.s32 $0x1500, s17  }
0x14f: {  	[tilespmem:s31], [sflag:$0x2] =	stream.indirect.gather [hbm4b:s3+s9], $0x20, s22, s9, $0xb8;
	[tilespmem:$0x1D400] =	vst v63  }
0x150: {  	s19 =	sadd.s32 $0x1580, s17;
	s22 =	simm.s32 $0x14400  }
0x151: {  	[tilespmem:s22], [sflag:$0x2] =	stream.indirect.gather [hbm4b:s3+s9], $0x20, s19, s9, $0xb8;
	[tilespmem:$0x1D400] =	vst v63  }
0x152: {  	s22 =	sadd.s32 $0x1600, s17  }
0x153: {  	[tilespmem:s4], [sflag:$0x2] =	stream.indirect.gather [hbm4b:s3+s9], $0x20, s22, s9, $0xb8;
	[tilespmem:$0x1D400] =	vst v63  }
0x154: {  	s22 =	sadd.s32 $0x1680, s17  }
0x155: {  	[tilespmem:s5], [sflag:$0x2] =	stream.indirect.gather [hbm4b:s3+s9], $0x20, s22, s9, $0xb8;
	[tilespmem:$0x1D400] =	vst v63  }
0x156: {  	s22 =	sadd.s32 $0x1700, s17  }
0x157: {  	[tilespmem:s6], [sflag:$0x2] =	stream.indirect.gather [hbm4b:s3+s9], $0x20, s22, s9, $0xb8;
	[tilespmem:$0x1D400] =	vst v63  }
0x158: {  	s22 =	sadd.s32 $0x1780, s17  }
0x159: {  	[tilespmem:s2], [sflag:$0x2] =	stream.indirect.gather [hbm4b:s3+s9], $0x20, s22, s9, $0xb8;
	[tilespmem:$0x1D400] =	vst v63  }
0x15a: {  	p0 =	sne.s32 s15, $0x6800;
	s22 =	sadd.s32 $0x1800, s17  }
0x15b: {  	[tilespmem:s25], [sflag:$0x2] =	stream.indirect.gather [hbm4b:s3+s9], $0x20, s22, s9, $0xb8;
	[tilespmem:$0x1D400] =	vst v63  }
.Ltmp0:
0x15c: {  	s15 =	sadd.s32 $0x3400, s15;
	(pc) =	sbr.rel @p0 .LBB2_2-.Ltmp0, $4  }
0x15d: {  	s10 =	simm.s32 $0x3400;
	s19 =	sadd.s32 $0x1880, s17;
	s22 =	simm.s32 $0x1A400  }
0x15e: {  	[tilespmem:s22], [sflag:$0x2] =	stream.indirect.gather [hbm4b:s3+s9], $0x20, s19, s9, $0xb8;
	[tilespmem:$0x1D400] =	vst v63  }
0x15f: {  	s19 =	sadd.s32 $0x1900, s17;
	s22 =	simm.s32 $0x1B400;
	s17 =	sadd.s32 $0x1980, s17  }
0x160: {  	[tilespmem:s22], [sflag:$0x2] =	stream.indirect.gather [hbm4b:s3+s9], $0x20, s19, s9, $0xb8;
	[tilespmem:$0x1D400] =	vst v63  }
0x161: {  	s0 =	simm.s32 $0x1C400  }
0x162: {  	[tilespmem:s0], [sflag:$0x2] =	stream.indirect.gather [hbm4b:s3+s9], $0x20, s17, s9, $0xb8;
	[tilespmem:$0x1D400] =	vst v63  }
0x163: {  	_ =	swait.ge [sflag:s7], $0x1000  }
0x164: {  	[sflag:s7] =	ssyncset.done $0x0  }
0x165: {  	[sflag:s7] =	ssyncadd.s32 $0xFFFFF000  }
0x166: {  	_ =	swait.ge [sflag:s7], $0x1000  }
0x167: {  	[sflag:s7] =	ssyncset.done $0x0  }
0x168: {  	[sflag:s7] =	ssyncadd.s32 $0xFFFFF000  }
0x169: {  	_ =	swait.ge [sflag:s7], $0x1000  }
0x16a: {  	[sflag:s7] =	ssyncset.done $0x0  }
0x16b: {  	[sflag:s7] =	ssyncadd.s32 $0xFFFFF000  }
0x16c: {  	_ =	swait.ge [sflag:s7], $0x1000  }
0x16d: {  	[sflag:s7] =	ssyncset.done $0x0  }
0x16e: {  	[sflag:s7] =	ssyncadd.s32 $0xFFFFF000  }
0x16f: {  	_ =	swait.ge [sflag:s7], $0x1000  }
0x170: {  	[sflag:s7] =	ssyncset.done $0x0  }
0x171: {  	[sflag:s7] =	ssyncadd.s32 $0xFFFFF000  }
0x172: {  	_ =	swait.ge [sflag:s7], $0x1000  }
0x173: {  	[sflag:s7] =	ssyncset.done $0x0  }
0x174: {  	[sflag:s7] =	ssyncadd.s32 $0xFFFFF000  }
0x175: {  	_ =	swait.ge [sflag:s7], $0x1000  }
0x176: {  	[sflag:s7] =	ssyncset.done $0x0  }
0x177: {  	[sflag:s7] =	ssyncadd.s32 $0xFFFFF000  }
0x178: {  	_ =	swait.ge [sflag:s7], $0x1000  }
0x179: {  	[sflag:s7] =	ssyncset.done $0x0  }
0x17a: {  	[sflag:s7] =	ssyncadd.s32 $0xFFFFF000  }
0x17b: {  	_ =	swait.ge [sflag:s7], $0x1000  }
0x17c: {  	[sflag:s7] =	ssyncset.done $0x0  }
0x17d: {  	[sflag:s7] =	ssyncadd.s32 $0xFFFFF000  }
0x17e: {  	_ =	swait.ge [sflag:s7], $0x1000  }
0x17f: {  	[sflag:s7] =	ssyncset.done $0x0  }
0x180: {  	[sflag:s7] =	ssyncadd.s32 $0xFFFFF000  }
0x181: {  	_ =	swait.ge [sflag:s7], $0x1000  }
0x182: {  	[sflag:s7] =	ssyncset.done $0x0  }
0x183: {  	[sflag:s7] =	ssyncadd.s32 $0xFFFFF000  }
0x184: {  	_ =	swait.ge [sflag:s7], $0x1000  }
0x185: {  	[sflag:s7] =	ssyncset.done $0x0  }
0x186: {  	[sflag:s7] =	ssyncadd.s32 $0xFFFFF000  }
0x187: {  	_ =	swait.ge [sflag:s7], $0x1000  }
0x188: {  	[sflag:s7] =	ssyncset.done $0x0  }
0x189: {  	s24 =	simm.s32 $0x0;
	s15 =	rddreg [dreg:$0x6];
	[sflag:s7] =	ssyncadd.s32 $0xFFFFF000  }
0x18a: {  	[hbm4b:s15+s24] =	stream.linear.scatter [tilespmem:s10], [sflag:$0x3], $0xD000, $0x38;
	[tilespmem:$0x1D400] =	vst v63  }
0x18b: {  	_ =	swait.ge [sflag:s8], $0x1000  }
0x18c: {  	[sflag:s8] =	ssyncset.done $0x0  }
0x18d: {  	[sflag:s8] =	ssyncadd.s32 $0xFFFFF000  }
0x18e: {  	_ =	swait.ge [sflag:s8], $0x1000  }
0x18f: {  	[sflag:s8] =	ssyncset.done $0x0  }
0x190: {  	[sflag:s8] =	ssyncadd.s32 $0xFFFFF000  }
0x191: {  	_ =	swait.ge [sflag:s8], $0x1000  }
0x192: {  	[sflag:s8] =	ssyncset.done $0x0  }
0x193: {  	[sflag:s8] =	ssyncadd.s32 $0xFFFFF000  }
0x194: {  	_ =	swait.ge [sflag:s8], $0x1000  }
0x195: {  	[sflag:s8] =	ssyncset.done $0x0  }
0x196: {  	[sflag:s8] =	ssyncadd.s32 $0xFFFFF000  }
0x197: {  	_ =	swait.ge [sflag:s8], $0x1000  }
0x198: {  	[sflag:s8] =	ssyncset.done $0x0  }
0x199: {  	[sflag:s8] =	ssyncadd.s32 $0xFFFFF000  }
0x19a: {  	_ =	swait.ge [sflag:s8], $0x1000  }
0x19b: {  	[sflag:s8] =	ssyncset.done $0x0  }
0x19c: {  	[sflag:s8] =	ssyncadd.s32 $0xFFFFF000  }
0x19d: {  	_ =	swait.ge [sflag:s8], $0x1000  }
0x19e: {  	[sflag:s8] =	ssyncset.done $0x0  }
0x19f: {  	[sflag:s8] =	ssyncadd.s32 $0xFFFFF000  }
0x1a0: {  	_ =	swait.ge [sflag:s8], $0x1000  }
0x1a1: {  	[sflag:s8] =	ssyncset.done $0x0  }
0x1a2: {  	[sflag:s8] =	ssyncadd.s32 $0xFFFFF000  }
0x1a3: {  	_ =	swait.ge [sflag:s8], $0x1000  }
0x1a4: {  	[sflag:s8] =	ssyncset.done $0x0  }
0x1a5: {  	[sflag:s8] =	ssyncadd.s32 $0xFFFFF000  }
0x1a6: {  	_ =	swait.ge [sflag:s8], $0x1000  }
0x1a7: {  	[sflag:s8] =	ssyncset.done $0x0  }
0x1a8: {  	[sflag:s8] =	ssyncadd.s32 $0xFFFFF000  }
0x1a9: {  	_ =	swait.ge [sflag:s8], $0x1000  }
0x1aa: {  	[sflag:s8] =	ssyncset.done $0x0  }
0x1ab: {  	[sflag:s8] =	ssyncadd.s32 $0xFFFFF000  }
0x1ac: {  	_ =	swait.ge [sflag:s8], $0x1000  }
0x1ad: {  	[sflag:s8] =	ssyncset.done $0x0  }
0x1ae: {  	[sflag:s8] =	ssyncadd.s32 $0xFFFFF000  }
0x1af: {  	_ =	swait.ge [sflag:s8], $0x1000  }
0x1b0: {  	[sflag:s8] =	ssyncset.done $0x0  }
0x1b1: {  	s25 =	rddreg [dreg:$0x7];
	[sflag:s8] =	ssyncadd.s32 $0xFFFFF000  }
0x1b2: {  	[hbm4b:s25+s24] =	stream.linear.scatter [tilespmem:s16], [sflag:$0x4], $0xD000, $0x38;
	[tilespmem:$0x1D400] =	vst v63  }
0x1b3: {  	_ =	swait.ge [sflag:s11], $0xD000  }
0x1b4: {  	[sflag:s11] =	ssyncset.done $0x0  }
0x1b5: {  	s19 =	simm.s32 $0x5400;
	s21 =	simm.s32 $0x6400;
	[sflag:s11] =	ssyncadd.s32 $0xFFFF3000  }
0x1b6: {  	s23 =	simm.s32 $0x7400;
	s1 =	simm.s32 $0x9400;
	_ =	swait.ge [sflag:s13], $0xD000  }
0x1b7: {  	s12 =	simm.s32 $0xA400;
	s20 =	simm.s32 $0xB400;
	s26 =	rddreg [dreg:$0x9]  }
0x1b8: {  	s28 =	simm.s32 $0xD400;
	s30 =	rddreg [dreg:$0x8];
	s10 =	sadd.s32 $0x1, s26  }
0x1b9: {  	s18 =	simm.s32 $0xF400;
	s14 =	simm.s32 $0x12400;
	p0 =	sne.s32 s10, s30  }
.Ltmp1:
0x1ba: {  	s29 =	simm.s32 $0x13400;
	s22 =	simm.s32 $0x14400;
	(pc) =	sbr.rel @p0 .LBB2_1-.Ltmp1, $4  }
0x1bb: {  	s4 =	simm.s32 $0x15400;
	s5 =	simm.s32 $0x16400;
	s6 =	simm.s32 $0x17400  }
0x1bc: {  	s2 =	simm.s32 $0x18400;
	s31 =	simm.s32 $0x19400;
	s17 =	simm.s32 $0x4400  }
0x1bd: {  	s0 =	simm.s32 $0xE400;
	s25 =	simm.s32 $0x8400;
	[sflag:s13] =	ssyncset.done $0x0  }
0x1be: {  	s24 =	simm.s32 $0xC400;
	[sflag:s13] =	ssyncadd.s32 $0xFFFF3000;
	s26 =	simm.s32 $0x11400  }
0x1bf: {  	_ =	sfence.sel $0x180000  }
0x1c0: {  	[bflag:$0x0] =	sbarrier.arrive $0xFFFF  }
0x1c1: {  	_ =	strace $0x90000047  }
0x1c2: {  	s0 =	stileid.u32;
	[bflag:$0x2] =	sbarrier.arrive $0xFFFF  }
0x1c3: {  	p0 =	sne.s32 s0, $0x0;
	s0 =	rddreg [dreg:$0x2]  }
0x1c4: {  	s0 =	sadd.s32 @!p0 $0x100000, s0  }
0x1c5: {  	[sflag:s0] =	ssyncadd.tile.s32 @!p0 $0x1;
	_ =	shalt  }
.Lfunc_end2:
_tile_overlayer_lowered:
.L_overlay_start_2:
0x1c6: {  	(tag) =	ssettag $0x2  }
0x1c7: {  	s0 =	rddreg [dreg:$0x0];
	s2 =	stileid.u32  }
0x1c8: {  	s1 =	rddreg [dreg:$0x1];
	p0 =	sne.s32 s2, $0x0  }
0x1c9: {  	s3 =	rddreg [dreg:$0x2];
	[bflag:$0x3] =	sbarrier.arrive $0xFFFF;
	s2 =	simm.s32 @!p0 $0x1C05  }
0x1ca: {  	[timem:s3], [sflag:s2] =	dma.local @!p0 [hbm:s0], s1  }
0x1cb: {  	s0 =	simm.s32 @!p0 $0x5  }
0x1cc: {  	_ =	swait.ge @!p0 [sflag:s0], s1  }
0x1cd: {  	s1 =	ssub.s32 @!p0 $0x0, s1;
	[sflag:s0] =	ssyncset.done @!p0 $0x0  }
0x1ce: {  	[sflag:s0] =	ssyncadd.s32 @!p0 s1  }
0x1cf: {  	[bflag:$0x3] =	sbarrier.arrive $0xFFFF  }
0x1d0: {  	_ =	shalt  }

// kernel: sparse-core-data-format-call.cloned.1.call-start
scs
called_computation_lowered:
.L_overlay_start_0:
0x0: {  	s2 =	sld [smem:$0x3FD9]  }
0x1: {  	s3 =	sld [smem:$0x3FFE];
	_ =	sdelay $0x1  }
0x2: {  	s1 =	srdreg.scid  }
0x3: {  	s0 =	sand.u32 $0x1, s1  }
0x4: {  	s15 =	sshll.u32 s0, $0xA;
	s2 =	sadd.s32 s3, s2  }
0x5: {  	s2 =	sadd.s32 s2, s15  }
0x6: {  	[smem:$0x3FC6] =	sst s2  }
0x7: {  	_ = 	snop  }
0x8: {  	s2 =	sld [smem:$0x3FD0];
	_ =	sdelay $0x2  }
0x9: {  	s16 =	simm.s32 $0xA;
	s4 =	simm.s32 $0x10  }
0xa: {  	[smem:s4], [sflag:s16] =	dma.local [hbm:s2], $0x1  }
0xb: {  	_ =	swait.eq [sflag:s16], $0x1  }
0xc: {  	[sflag:s16] =	ssyncset.done $0x0  }
0xd: {  	[sflag:s16] =	ssyncadd.s32 $0xFFFFFFFF  }
0xe: {  	s17 =	sld [smem:$0x10];
	(tm) =	ssettm $0x1  }
0xf: {  	s18 =	sld [smem:$0x3FFB];
	_ =	sdelay $0x3  }
0x10: {  	_ =	strace s18  }
0x11: {  	s3 =	sld [smem:$0x3FFC];
	_ =	sdelay $0x3  }
0x12: {  	_ =	strace s3  }
0x13: {  	s3 =	sld [smem:$0x3FFD];
	_ =	sdelay $0x3  }
0x14: {  	_ =	strace s3  }
0x15: {  	_ =	strace $0x8FFFFFFF  }
0x16: {  	s19 =	sld [smem:$0x3FDB];
	_ =	sdelay $0x1  }
0x17: {  	s20 =	simm.s32 $_scs_section_size  }
0x18: {  	s5 =	simm.s32 $_size__tile_overlayer_lowered;
	s6 =	simm.s32 $_tile_overlayer_lowered  }
0x19: {  	s23 =	simm.s32 $0x1BFF;
	s22 =	sshll.u32 s6, $0x1;
	s3 =	sadd.s32 s20, s19  }
0x1a: {  	s7 =	simm.s32 $0x0;
	s21 =	sshll.u32 s5, $0x1;
	s5 =	sadd.s32 s22, s3  }
0x1b: {  	[timem:s7], [sflag:s23] =	dma.local [hbm:s5], s21  }
0x1c: {  	_ =	swait.ge [sflag:s23], s21  }
0x1d: {  	s4 =	ssub.s32 $0x0, s21;
	[sflag:s23] =	ssyncset.done $0x0  }
0x1e: {  	[sflag:s23] =	ssyncadd.s32 s4;
	_ =	sdelay $0x1  }
0x1f: {  	s24 =	simm.s32 $0x1B8B  }
0x20: {  	_ =	swait.ge [sflag:s24], $0x1  }
0x21: {  	[sflag:s24] =	ssyncset.done $0x0  }
0x22: {  	s26 =	simm.s32 $0x1B8E;
	s25 =	sld [smem:$0x3FFE];
	[sflag:s24] =	ssyncadd.s32 $0xFFFFFFFF  }
0x23: {  	s27 =	simm.s32 $execute0_lowered;
	[smem:$0x3FD2] =	sst s26  }
0x24: {  	s5 =	sshll.u32 s27, $0x1;
	_ =	strace $0x80000049;
	[dreg:$0x1] =	wrdreg $0xFFFFFFFF  }
0x25: {  	s28 =	simm.s32 $_size_execute0_lowered;
	s3 =	sadd.s32 s3, s5;
	[dreg:$0x0] =	wrdreg $0x0  }
0x26: {  	s5 =	sshll.u32 s28, $0x1;
	[dreg:$0x2] =	wrdreg s3  }
0x27: {  	[dreg:$0x3] =	wrdreg s5  }
0x28: {  	[dreg:$0x4] =	wrdreg $0xC0  }
0x29: {  	_ =	task [dreg:s7], $0x5FFFF  }
0x2a: {  	[dreg:$0x1] =	wrdreg $0xFFFFFFFF  }
0x2b: {  	[dreg:$0x0] =	wrdreg $0x60  }
0x2c: {  	[dreg:$0x2] =	wrdreg s25  }
0x2d: {  	[dreg:$0x3] =	wrdreg s17  }
0x2e: {  	[dreg:$0x4] =	wrdreg $0x9  }
0x2f: {  	_ =	task.clear_ibuf [dreg:s7], $0x5FFFF;
	_ =	strace $0x90000049  }
0x30: {  	s29 =	simm.s32 $0x9;
	_ =	strace $0x8000004B  }
0x31: {  	_ =	swait.ge [sflag:s29], $0x1  }
0x32: {  	[sflag:s29] =	ssyncadd.s32 $0xFFFFFFFF  }
0x33: {  	_ =	strace $0x9000004B  }
0x34: {  	_ =	sfence  }
0x35: {  	s30 =	sld [smem:$0x0];
	_ =	sdelay $0x2  }
0x36: {  	s31 =	sshll.u32 s1, $0xD;
	s1 =	sshrl.u32 s1, $0x2  }
0x37: {  	s3 =	sand.u32 $0x4000, s31;
	s1 =	sadd.s32 s1, s30  }
0x38: {  	s0 =	sor.u32 s3, s0;
	s1 =	sshll.u32 s1, $0x11  }
0x39: {  	s0 =	sor.u32 s1, s0  }
0x3a: {  	s0 =	sadd.s32 $0x8F2B, s0  }
0x3b: {  	[sflag:s0] =	ssyncadd.remote.s32 $0x1  }
0x3c: {  	_ =	sfence.sel $0xFFFF  }
0x3d: {  	[dreg:$0x0] =	wrdreg $0xFFFFFFFF;
	(pc) =	sbr.abs _section_cstart, $3  }
0x3e: {  	[dreg:$0x1] =	wrdreg $0xFFFFFFFF  }
0x3f: {  	_ =	task.clear_ibuf [dreg:s7], $0x2FFFF;
	_ =	strace $0x9FFFFFFF  }
0x40: {  	(tm) =	ssettm $0x7FFFFFFF  }
0x41: {  	_ =	shalt  }
tec
execute0_lowered:
.L_overlay_start_1:
0x0: {  	(tag) =	ssettag $0x1  }
0x1: {  	s0 =	srdreg.scid  }
0x2: {  	s1 =	sshll.u32 s0, $0x4  }
0x3: {  	s0 =	stileid.u32;
	s1 =	sand.u32 $0x10, s1  }
0x4: {  	s1 =	sor.u32 s0, s1  }
0x5: {  	s6 =	rddreg [dreg:$0x0];
	s4 =	simm.s32 $0x1;
	s2 =	sshll.u32 s1, $0x7  }
0x6: {  	s7 =	simm.s32 $0x2;
	s12 =	simm.s32 $0x0;
	s1 =	ssub.s32 $0x4000, s2  }
0x7: {  	s8 =	simm.s32 $0x20000;
	s13 =	simm.s32 $0x0;
	s3 =	sand.u32 $0xF80, s1  }
0x8: {  	s9 =	simm.s32 $0x0;
	s5 =	sshrl.u32 s1, $0xC;
	p0 =	sne.s32 s3, $0x0  }
.Ltmp0:
0x9: {  	s1 =	rddreg [dreg:$0x2];
	s4 =	simm.s32 @!p0 $0x0;
	(pc) =	sbr.rel .LBB1_1-.Ltmp0, $4  }
0xa: {  	s11 =	simm.s32 $0x0;
	s3 =	rddreg [dreg:$0x1];
	s5 =	sadd.s32 s4, s5  }
0xb: {  	_ =	strace $0x8000004A;
	s4 =	simm.s32 $0x1;
	s5 =	smul.u32 $0x1A, s5  }
0xc: {  	s6 =	sadd.s32 $0xA00, s6;
	s10 =	smov.u32 s2;
	[sflag:s4] =	ssyncpa.u1 $0x0  }
0xd: {  	p0 =	por $0x0, $0x0;
	[sflag:s7] =	ssyncpa.u1 $0x0;
	s7 =	sor.u32 $0x1, s5  }
.LBB1_4:
0xe: {  	s16 =	sshll.u32 s13, $0x3;
	s17 =	sand.u32 $0x78, s13  }
0xf: {  	s30 =	sand.u32 $0xF800, s13;
	s12 =	sshll.u32 s12, $0x10;
	s16 =	sand.u32 $0x3C00, s16  }
0x10: {  	s31 =	sand.u32 $0x7, s13;
	s16 =	sor.u32 s17, s16;
	s17 =	sadd.s32 s3, s30  }
0x11: {  	s13 =	sshll.u32 s31, $0x12;
	s16 =	sshrl.u32 s16, $0x3;
	s12 =	sadd.s32 s12, s17  }
0x12: {  	[tilespmem:s15+$0x0 ss:$0x81] =	vst.msk $0xffff, v0;
	s13 =	sor.u32 $0x400, s13;
	s12 =	sadd.s32 s16, s12  }
0x13: {  	[hbm4b:s12+s13] =	stream.strided.scatter [tilespmem:s14], [sflag:$0x2], $0x1000, s8, s13, $0x20;
	[tilespmem:$0x4040] =	vst v63  }
.LBB1_5:
0x14: {  	s14 =	sadd.s32 $0x1, s9  }
0x15: {  	s12 =	sadd.s32 $0x1000, s10;
	s16 =	smov.u32 s10;
	p2 =	sgt.s32 s14, $0x19  }
0x16: {  	s16 =	smov.u32 @p2 s12  }
0x17: {  	s14 =	simm.s32 @p2 $0x0;
	p2 =	sgt.s32 s16, $0x3FFF  }
0x18: {  	s16 =	smov.u32 @p2 s2;
	p2 =	sne.s32 s11, s7  }
.Ltmp1:
0x19: {  	p1 =	slt.u32 s11, $0x2;
	(pc) =	sbr.rel @!p2 .LBB1_6-.Ltmp1, $4  }
0x1a: {  	s15 =	simm.s32 @!p1 $0x2  }
0x1b: {  	s13 =	smov.u32 s10;
	p0 =	por !p0, !p0;
	_ =	swait.ge @!p1 [sflag:s15], $0x1000  }
0x1c: {  	s12 =	smov.u32 s9;
	[sflag:s15] =	ssyncset.done @!p1 $0x0;
	s9 =	smov.u32 s14  }
0x1d: {  	s11 =	sadd.s32 $0x1, s11;
	[sflag:s15] =	ssyncadd.s32 @!p1 $0xFFFFF000;
	s10 =	smov.u32 s16  }
.LBB1_1:
0x1e: {  	p1 =	sge.u32 s11, s5  }
0x1f: {  	s31 =	sadd.s32 $0xFFFFFFFF, s11;
	s14 =	sxor.u32 @!p1 $0xFFFFFFFF, s11  }
0x20: {  	s15 =	sshll.u32 @!p1 s10, $0x9;
	s16 =	sshll.u32 @!p1 s9, $0x4;
	s17 =	simm.s32 @!p1 $0x1000  }
0x21: {  	s14 =	sshll.u32 @!p1 s14, $0xC;
	s16 =	sand.u32 @!p1 $0x1F0, s16;
	s15 =	sadd.s32 @!p1 s6, s15  }
0x22: {  	s14 =	sand.u32 @!p1 $0x1000, s14;
	s15 =	sadd.s32 @!p1 s16, s15;
	s16 =	simm.s32 @!p1 $0x20  }
0x23: {  	[tilespmem:s14], [sflag:$0x1] =	stream.strided.gather @!p1 [hbm4b:s15+s16], $0x1000, s17, s16, $0x38;
	[tilespmem:$0x4040] =	vst v63  }
0x24: {  	p1 =	sge.u32 s31, s5  }
.Ltmp2:
0x25: {  	_ = 	snop;
	(pc) =	sbr.rel @p1 .LBB1_5-.Ltmp2, $1  }
0x26: {  	_ =	sdelay $0x3  }
0x27: {  	s14 =	simm.s32 $0x1  }
0x28: {  	_ =	swait.ge [sflag:s4], $0x1000;
	s14 =	simm.s32 @!p0 $0x0  }
0x29: {  	[sflag:s4] =	ssyncset.done $0x0;
	s15 =	sshll.u32 s14, $0xC  }
0x2a: {  	[sflag:s4] =	ssyncadd.s32 $0xFFFFF000;
	s18 =	sor.u32 $0x10, s15  }
0x2b: {  	s14 =	smul.u32 $0x4080, s14;
	v1 =	vld [tilespmem:s18+$0x0]  }
0x2c: {  	s30 =	sand.u32 $0x1, s11;
	v0 =	vld [tilespmem:s18+$0xFFFFFFF0]  }
0x2d: {  	s15 =	smul.u32 $0x4080, s30;
	s14 =	sshrl.u32 s14, $0x2  }
0x2e: {  	s16 =	sor.u32 $0x2000, s14  }
0x2f: {  	s31 =	sshrl.u32 s15, $0x2;
	s15 =	sadd.s32 $0x0, s16  }
0x30: {  	s17 =	simm.s32 $0x4;
	s18 =	sadd.s32 $0x20, s18;
	s14 =	sor.u32 $0x2000, s31;
	[tilespmem:s15+$0x810 ss:$0x81] =	vst.msk $0xffff, v1  }
.LBB1_3:
0x31: {  	v1 =	vld [tilespmem:s18+$0x0];
	p1 =	sne.s32 s17, $0x1FC;
	[tilespmem:s15+$0x0 ss:$0x81] =	vst.msk $0xffff, v0;
	s15 =	smov.u32 s17;
	s17 =	sadd.s32 $0x4, s17  }
.Ltmp3:
0x32: {  	v0 =	vld [tilespmem:s18+$0xFFFFFFF0];
	(pc) =	sbr.rel @p1 .LBB1_3-.Ltmp3, $4  }
0x33: {  	_ = 	snop  }
0x34: {  	s15 =	sshra.s32 s15, $0x2  }
0x35: {  	s15 =	sadd.s32 s15, s16  }
0x36: {  	s18 =	sadd.s32 $0x20, s18;
	[tilespmem:s15+$0x810 ss:$0x81] =	vst.msk $0xffff, v1  }
.Ltmp4:
0x37: {  	_ = 	snop;
	(pc) =	sbr.rel .LBB1_4-.Ltmp4, $1  }
0x38: {  	_ =	sdelay $0x3  }
.LBB1_6:
0x39: {  	_ =	sfence.sel $0x180000  }
0x3a: {  	s2 =	simm.s32 $0x1;
	[bflag:$0x0] =	sbarrier.arrive $0xFFFF  }
0x3b: {  	s31 =	simm.s32 $0x2;
	[sflag:s2] =	ssyncpa.u1 $0x1  }
0x3c: {  	[sflag:s31] =	ssyncpa.u1 $0x1  }
0x3d: {  	p0 =	sne.s32 s0, $0x0;
	_ =	strace $0x9000004A  }
0x3e: {  	s0 =	sadd.s32 @!p0 $0x100000, s1;
	[bflag:$0x2] =	sbarrier.arrive $0xFFFF  }
0x3f: {  	[sflag:s0] =	ssyncadd.tile.s32 @!p0 $0x1;
	_ =	shalt  }
.Lfunc_end1:
_tile_overlayer_lowered:
.L_overlay_start_2:
0x40: {  	(tag) =	ssettag $0x2  }
0x41: {  	s0 =	rddreg [dreg:$0x0];
	s2 =	stileid.u32  }
0x42: {  	s1 =	rddreg [dreg:$0x1];
	p0 =	sne.s32 s2, $0x0  }
0x43: {  	s3 =	rddreg [dreg:$0x2];
	[bflag:$0x3] =	sbarrier.arrive $0xFFFF;
	s2 =	simm.s32 @!p0 $0x1C01  }
0x44: {  	[timem:s3], [sflag:s2] =	dma.local @!p0 [hbm:s0], s1  }
0x45: {  	s0 =	simm.s32 @!p0 $0x1  }
0x46: {  	_ =	swait.ge @!p0 [sflag:s0], s1  }
0x47: {  	s1 =	ssub.s32 @!p0 $0x0, s1;
	[sflag:s0] =	ssyncset.done @!p0 $0x0  }
0x48: {  	[sflag:s0] =	ssyncadd.s32 @!p0 s1  }
0x49: {  	[bflag:$0x3] =	sbarrier.arrive $0xFFFF  }
0x4a: {  	_ =	shalt  }

</sc_bundles>
